<compile_context>
chip_gen: v7x
topology: tpu7x:2x2x1
jax: 0.10.2.dev20260603
libtpu: 0.0.44.dev20260713+nightly
codegen_flags: <defaults>
</compile_context>

<pallas_src>
import functools

import jax
import jax.numpy as jnp
from jax import lax
from jax.experimental import pallas as pl
from jax.experimental.pallas import tpu as pltpu
from jax.experimental.pallas import tpu_sc as plsc

_NC = 2
_NS = 16
_NW = _NC * _NS
_NBG = 2
_NBT = 4
_NBI = 2
_L = 16
_CH = 128
_IB = 8


@functools.lru_cache(maxsize=None)
def _build(B, S, D):
    tok_per_w = (B // _NW) * S
    n_ch = tok_per_w // _CH
    n_ib = n_ch // _IB
    xrow_per_w = tok_per_w // 128

    mesh = plsc.VectorSubcoreMesh(core_axis_name="c", subcore_axis_name="s")

    def body(x2_hbm, table_hbm, pos_hbm, out_hbm,
             pos_v, idx_v, gat_v, tok_v, isem, gsem, osem):
        sid = lax.axis_index("s")
        wid = sid * _NC + lax.axis_index("c")
        base = wid * tok_per_w
        xrow0 = wid * xrow_per_w

        pltpu.sync_copy(pos_hbm, pos_v)

        def load_block(blk, bi):
            pltpu.async_copy(x2_hbm.at[pl.ds(xrow0 + blk * _IB, _IB)],
                             idx_v.at[bi], isem.at[bi])

        load_block(0, 0)

        def slot(s, carry):
            @pl.when(jnp.logical_and(s >= _NBT, s < n_ch))
            def _():
                bP = lax.rem(s, _NBT)
                pltpu.make_async_copy(
                    tok_v.at[bP], out_hbm.at[pl.ds(0, _CH)], osem.at[bP]
                ).wait()

            @pl.when(lax.rem(s, _IB) == 4)
            def _():
                blk = s // _IB + 1

                @pl.when(blk < n_ib)
                def _():
                    load_block(blk, lax.rem(blk, _NBI))

            @pl.when(jnp.logical_and(s >= 1, s <= n_ch))
            def _():
                c = s - 1
                j = lax.rem(c, _IB)
                bi = lax.rem(c // _IB, _NBI)
                bG = lax.rem(c, _NBG)

                @pl.when(j == 0)
                def _():
                    pltpu.make_async_copy(x2_hbm.at[pl.ds(0, _IB)],
                                          idx_v.at[bi], isem.at[bi]).wait()

                pltpu.async_copy(table_hbm.at[idx_v.at[bi, j]], gat_v.at[bG],
                                 gsem.at[bG])

            @pl.when(s >= 2)
            def _():
                o = s - 2
                bG = lax.rem(o, _NBG)
                bO = lax.rem(o, _NBT)
                pltpu.make_async_copy(table_hbm.at[idx_v.at[0, 0]],
                                      gat_v.at[bG], gsem.at[bG]).wait()
                r0 = lax.rem(o * _CH, S)
                n1 = jnp.minimum(S - r0, _CH)

                def add_row(pr_off):
                    def f(r):
                        for c in range(D // _L):
                            pv = pos_v[r + pr_off, pl.ds(c * _L, _L)]
                            tok_v[bO, r, pl.ds(c * _L, _L)] = (
                                gat_v[bG, r, pl.ds(c * _L, _L)] + pv)
                    return f

                plsc.parallel_loop(0, n1, unroll=8)(add_row(r0))
                plsc.parallel_loop(n1, _CH, unroll=8)(add_row(r0 - S))

                off = base + o * _CH
                pltpu.async_copy(tok_v.at[bO], out_hbm.at[pl.ds(off, _CH)],
                                 osem.at[bO])

            return carry

        lax.fori_loop(0, n_ch + 2, slot, 0)

        for b in range(_NBT):
            pltpu.make_async_copy(
                tok_v.at[b], out_hbm.at[pl.ds(0, _CH)], osem.at[b]
            ).wait()

    return pl.kernel(
        body,
        out_type=jax.ShapeDtypeStruct((B * S, D), jnp.float32),
        mesh=mesh,
        compiler_params=pltpu.CompilerParams(use_tc_tiling_on_sc=True),
        scratch_types=[
            pltpu.VMEM((S, D), jnp.float32),
            pltpu.VMEM((_NBI, _IB, 128), jnp.int32),
            pltpu.VMEM((_NBG, _CH, 128), jnp.float32),
            pltpu.VMEM((_NBT, _CH, D), jnp.float32),
            pltpu.SemaphoreType.DMA((_NBI,)),
            pltpu.SemaphoreType.DMA((_NBG,)),
            pltpu.SemaphoreType.DMA((_NBT,)),
        ],
    )


def kernel(x, token_table, pos_table):
    B, S = x.shape
    V, D = token_table.shape
    x2 = x.reshape(B * S // 128, 128).astype(jnp.int32)
    table_p = jnp.pad(token_table, ((0, 0), (0, 128 - D)))
    out2 = _build(B, S, D)(x2, table_p, pos_table)
    return out2.reshape(B, S, D)

# --- scband reference (transcript-rebuilt; emitter-appended) ---
"""Pipeline reference for scband-token-and-position-embedding-27367531610325 (READ-ONLY COPY).

The authoritative reference and input builder live on the scoring server;
editing this copy changes nothing except your own understanding.
"""

import jax, jax.numpy as jnp
import numpy as np

VOCAB = 100000
MAXLEN = 200
EMBED = 64
BATCH = 4096

def setup_inputs(seed: int = 0) -> dict:
    key = jax.random.key(seed)
    k1, k2, k3 = jax.random.split(key, 3)
    x = jax.random.randint(k1, (BATCH, MAXLEN), 0, VOCAB, dtype=jnp.int64 if jax.config.jax_enable_x64 else jnp.int32)
    token_table = jax.random.normal(k2, (VOCAB, EMBED), dtype=jnp.float32) * 0.02
    pos_table = jax.random.normal(k3, (MAXLEN, EMBED), dtype=jnp.float32) * 0.02
    return {"x": x, "token_table": token_table, "pos_table": pos_table}

def reference(x, token_table, pos_table):
    seq_len = x.shape[-1]
    positions = jnp.arange(0, seq_len)
    pos_emb = jnp.take(pos_table, positions, axis=0)  # [seq_len, embed]
    tok_emb = jnp.take(token_table, x, axis=0)        # [batch, seq_len, embed]
    return tok_emb + pos_emb[None, :, :]

if __name__ == "__main__":
    import jax
    _d = setup_inputs()
    print(jax.jit(kernel)(*tuple(_d.values())))

</pallas_src>

<mosaic_0001>
#map = affine_map<(d0, d1) -> (0, 0)>
module attributes {stable_mosaic.version = 14 : i64} {
  func.func @body(%arg0: i32, %arg1: i32, %arg2: memref<6400x128xi32, #tpu.memory_space<hbm>>, %arg3: memref<100000x128xf32, #tpu.memory_space<hbm>>, %arg4: memref<200x64xf32, #tpu.memory_space<hbm>>, %arg5: memref<819200x64xf32, #tpu.memory_space<hbm>>, %arg6: memref<200x64xf32, #tpu.memory_space<vmem>>, %arg7: memref<2x8x128xi32, #tpu.memory_space<vmem>>, %arg8: memref<2x128x128xf32, #tpu.memory_space<vmem>>, %arg9: memref<4x128x64xf32, #tpu.memory_space<vmem>>, %arg10: memref<2x!tpu.dma_semaphore, #tpu.memory_space<semaphore_mem>>, %arg11: memref<2x!tpu.dma_semaphore, #tpu.memory_space<semaphore_mem>>, %arg12: memref<4x!tpu.dma_semaphore, #tpu.memory_space<semaphore_mem>>) attributes {dimension_semantics = [#tpu.dimension_semantics<core_parallel>, #tpu.dimension_semantics<subcore_parallel>], iteration_bounds = array<i64: 2, 16>, scalar_prefetch = 0 : i64, scratch_operands = 7 : i64, tpu.core_type = #tpu.core_type<sc_vector_subcore>, window_params = [{transform_indices = #map}, {transform_indices = #map}, {transform_indices = #map}, {transform_indices = #map}]} {
    %mul3A = arith.constant 2 : i32
    %mul3A_0 = arith.muli %arg1, %mul3A : i32
    %add3A = arith.addi %mul3A_0, %arg0 : i32
    %mul3A_1 = arith.constant 25600 : i32
    %mul3A_2 = arith.muli %add3A, %mul3A_1 : i32
    %mul3A_3 = arith.constant 200 : i32
    %mul3A_4 = arith.muli %add3A, %mul3A_3 : i32
    "tpu.region"() ({
      %run_scoped3A = tpu.sem_alloc : memref<!tpu.dma_semaphore, #tpu.memory_space<semaphore_mem>>
      tpu.enqueue_dma source(%arg4 : memref<200x64xf32, #tpu.memory_space<hbm>>) target(%arg6 : memref<200x64xf32, #tpu.memory_space<vmem>>) target_semaphore(%run_scoped3A : memref<!tpu.dma_semaphore, #tpu.memory_space<semaphore_mem>>)
      tpu.wait_dma2 semaphore(%run_scoped3A : memref<!tpu.dma_semaphore, #tpu.memory_space<semaphore_mem>>) src(%arg4 : memref<200x64xf32, #tpu.memory_space<hbm>>) dst(%arg6 : memref<200x64xf32, #tpu.memory_space<vmem>>)
      tpu.yield
    }) : () -> ()
    %add3A_5 = arith.constant 0 : i32
    %add3A_6 = arith.addi %mul3A_4, %add3A_5 : i32
    %dma_start3A = arith.constant 0 : i32
    %dma_start3A_7 = arith.constant 0 : i32
    %dma_start3A_8 = arith.constant 0 : i32
    %dma_start3A_9 = arith.constant 0 : i32
    %dma_start3A_10 = tpu.memref_slice %arg7[%dma_start3A, %dma_start3A_8, %dma_start3A_9] : memref<2x8x128xi32, #tpu.memory_space<vmem>> -> memref<1x8x128xi32, #tpu.memory_space<vmem>>
    %dma_start3A_11 = tpu.memref_squeeze %dma_start3A_10 : memref<1x8x128xi32, #tpu.memory_space<vmem>> -> memref<8x128xi32, #tpu.memory_space<vmem>>
    %dma_start3A_12 = arith.constant 0 : i32
    %dma_start3A_13 = tpu.memref_slice %arg2[%add3A_6, %dma_start3A_12] : memref<6400x128xi32, #tpu.memory_space<hbm>> -> memref<8x128xi32, #tpu.memory_space<hbm>>
    %dma_start3A_14 = tpu.memref_slice %arg10[%dma_start3A_7] : memref<2x!tpu.dma_semaphore, #tpu.memory_space<semaphore_mem>> -> memref<1x!tpu.dma_semaphore, #tpu.memory_space<semaphore_mem>>
    %dma_start3A_15 = tpu.memref_squeeze %dma_start3A_14 : memref<1x!tpu.dma_semaphore, #tpu.memory_space<semaphore_mem>> -> memref<!tpu.dma_semaphore, #tpu.memory_space<semaphore_mem>>
    %dma_start3A_16 = arith.constant 0 : i32
    %dma_start3A_17 = arith.constant 0 : i32
    %dma_start3A_18 = tpu.memref_slice %arg7[%dma_start3A, %dma_start3A_16, %dma_start3A_17] : memref<2x8x128xi32, #tpu.memory_space<vmem>> -> memref<1x8x128xi32, #tpu.memory_space<vmem>>
    %dma_start3A_19 = tpu.memref_squeeze %dma_start3A_18 : memref<1x8x128xi32, #tpu.memory_space<vmem>> -> memref<8x128xi32, #tpu.memory_space<vmem>>
    %dma_start3A_20 = arith.constant 0 : i32
    %dma_start3A_21 = tpu.memref_slice %arg2[%add3A_6, %dma_start3A_20] : memref<6400x128xi32, #tpu.memory_space<hbm>> -> memref<8x128xi32, #tpu.memory_space<hbm>>
    tpu.enqueue_dma source(%dma_start3A_21 : memref<8x128xi32, #tpu.memory_space<hbm>>) target(%dma_start3A_19 : memref<8x128xi32, #tpu.memory_space<vmem>>) target_semaphore(%dma_start3A_15 : memref<!tpu.dma_semaphore, #tpu.memory_space<semaphore_mem>>)
    %scan3A = arith.constant 0 : i32
    %scan3A_22 = arith.constant 0 : i32
    %scan3A_23 = arith.constant 202 : i32
    %scan3A_24 = arith.addi %scan3A_22, %scan3A_23 : i32
    %scan3A_25 = arith.constant 1 : i32
    scf.for %scan3A_98 = %scan3A_22 to %scan3A_24 step %scan3A_25  : i32 {
      %ge3A = arith.constant 4 : i32
      %ge3A_99 = arith.cmpi sge, %scan3A_98, %ge3A : i32
      %lt3A = arith.constant 200 : i32
      %lt3A_100 = arith.cmpi slt, %scan3A_98, %lt3A : i32
      %and3A = arith.andi %ge3A_99, %lt3A_100 : i1
      %convert_element_type3A = arith.extui %and3A : i1 to i32
      %cond3A = arith.constant 0 : i32
      %cond3A_101 = arith.cmpi ne, %convert_element_type3A, %cond3A : i32
      scf.if %cond3A_101 {
        %rem3A_119 = arith.constant 4 : i32
        %rem3A_120 = arith.remsi %scan3A_98, %rem3A_119 : i32
        %dma_wait3A_121 = arith.constant 0 : i32
        %dma_wait3A_122 = arith.constant 0 : i32
        %dma_wait3A_123 = tpu.memref_slice %arg9[%rem3A_120, %dma_wait3A_121, %dma_wait3A_122] : memref<4x128x64xf32, #tpu.memory_space<vmem>> -> memref<1x128x64xf32, #tpu.memory_space<vmem>>
        %dma_wait3A_124 = tpu.memref_squeeze %dma_wait3A_123 : memref<1x128x64xf32, #tpu.memory_space<vmem>> -> memref<128x64xf32, #tpu.memory_space<vmem>>
        %dma_wait3A_125 = arith.constant 0 : i32
        %dma_wait3A_126 = arith.constant 0 : i32
        %dma_wait3A_127 = tpu.memref_slice %arg5[%dma_wait3A_125, %dma_wait3A_126] : memref<819200x64xf32, #tpu.memory_space<hbm>> -> memref<128x64xf32, #tpu.memory_space<hbm>>
        %dma_wait3A_128 = tpu.memref_slice %arg12[%rem3A_120] : memref<4x!tpu.dma_semaphore, #tpu.memory_space<semaphore_mem>> -> memref<1x!tpu.dma_semaphore, #tpu.memory_space<semaphore_mem>>
        %dma_wait3A_129 = tpu.memref_squeeze %dma_wait3A_128 : memref<1x!tpu.dma_semaphore, #tpu.memory_space<semaphore_mem>> -> memref<!tpu.dma_semaphore, #tpu.memory_space<semaphore_mem>>
        %dma_wait3A_130 = arith.constant 0 : i32
        %dma_wait3A_131 = arith.constant 0 : i32
        %dma_wait3A_132 = tpu.memref_slice %arg5[%dma_wait3A_130, %dma_wait3A_131] : memref<819200x64xf32, #tpu.memory_space<hbm>> -> memref<128x64xf32, #tpu.memory_space<hbm>>
        %dma_wait3A_133 = arith.constant 0 : i32
        %dma_wait3A_134 = arith.constant 0 : i32
        %dma_wait3A_135 = tpu.memref_slice %arg9[%rem3A_120, %dma_wait3A_133, %dma_wait3A_134] : memref<4x128x64xf32, #tpu.memory_space<vmem>> -> memref<1x128x64xf32, #tpu.memory_space<vmem>>
        %dma_wait3A_136 = tpu.memref_squeeze %dma_wait3A_135 : memref<1x128x64xf32, #tpu.memory_space<vmem>> -> memref<128x64xf32, #tpu.memory_space<vmem>>
        tpu.wait_dma2 semaphore(%dma_wait3A_129 : memref<!tpu.dma_semaphore, #tpu.memory_space<semaphore_mem>>) src(%dma_wait3A_136 : memref<128x64xf32, #tpu.memory_space<vmem>>) dst(%dma_wait3A_132 : memref<128x64xf32, #tpu.memory_space<hbm>>)
      } else {
      }
      %rem3A = arith.constant 8 : i32
      %rem3A_102 = arith.remsi %scan3A_98, %rem3A : i32
      %eq3A = arith.constant 4 : i32
      %eq3A_103 = arith.cmpi eq, %rem3A_102, %eq3A : i32
      %convert_element_type3A_104 = arith.extui %eq3A_103 : i1 to i32
      %cond3A_105 = arith.constant 0 : i32
      %cond3A_106 = arith.cmpi ne, %convert_element_type3A_104, %cond3A_105 : i32
      scf.if %cond3A_106 {
        %jit3A = arith.constant 8 : i32
        %div3A = arith.divsi %scan3A_98, %jit3A : i32
        %sign3A = arith.constant 0 : i32
        %sign3A_119 = arith.cmpi sgt, %scan3A_98, %sign3A : i32
        %sign3A_120 = arith.extui %sign3A_119 : i1 to i32
        %sign3A_121 = arith.constant 0 : i32
        %sign3A_122 = arith.cmpi slt, %scan3A_98, %sign3A_121 : i32
        %sign3A_123 = arith.extui %sign3A_122 : i1 to i32
        %sign3A_124 = arith.subi %sign3A_120, %sign3A_123 : i32
        %sign3A_125 = arith.constant 0 : i32
        %sign3A_126 = arith.cmpi sgt, %jit3A, %sign3A_125 : i32
        %sign3A_127 = arith.extui %sign3A_126 : i1 to i32
        %sign3A_128 = arith.constant 0 : i32
        %sign3A_129 = arith.cmpi slt, %jit3A, %sign3A_128 : i32
        %sign3A_130 = arith.extui %sign3A_129 : i1 to i32
        %sign3A_131 = arith.subi %sign3A_127, %sign3A_130 : i32
        %ne3A = arith.cmpi ne, %sign3A_124, %sign3A_131 : i32
        %rem3A_132 = arith.remsi %scan3A_98, %jit3A : i32
        %ne3A_133 = arith.constant 0 : i32
        %ne3A_134 = arith.cmpi ne, %rem3A_132, %ne3A_133 : i32
        %and3A_135 = arith.andi %ne3A, %ne3A_134 : i1
        %sub3A = arith.constant 1 : i32
        %sub3A_136 = arith.subi %div3A, %sub3A : i32
        %select_n3A = arith.select %and3A_135, %sub3A_136, %div3A : i32
        %add3A_137 = arith.constant 1 : i32
        %add3A_138 = arith.addi %select_n3A, %add3A_137 : i32
        %lt3A_139 = arith.constant 25 : i32
        %lt3A_140 = arith.cmpi slt, %add3A_138, %lt3A_139 : i32
        %convert_element_type3A_141 = arith.extui %lt3A_140 : i1 to i32
        %cond3A_142 = arith.constant 0 : i32
        %cond3A_143 = arith.cmpi ne, %convert_element_type3A_141, %cond3A_142 : i32
        scf.if %cond3A_143 {
          %rem3A_144 = arith.constant 2 : i32
          %rem3A_145 = arith.remsi %add3A_138, %rem3A_144 : i32
          %mul3A_146 = arith.constant 8 : i32
          %mul3A_147 = arith.muli %add3A_138, %mul3A_146 : i32
          %add3A_148 = arith.addi %mul3A_4, %mul3A_147 : i32
          %dma_start3A_149 = arith.constant 0 : i32
          %dma_start3A_150 = arith.constant 0 : i32
          %dma_start3A_151 = tpu.memref_slice %arg7[%rem3A_145, %dma_start3A_149, %dma_start3A_150] : memref<2x8x128xi32, #tpu.memory_space<vmem>> -> memref<1x8x128xi32, #tpu.memory_space<vmem>>
          %dma_start3A_152 = tpu.memref_squeeze %dma_start3A_151 : memref<1x8x128xi32, #tpu.memory_space<vmem>> -> memref<8x128xi32, #tpu.memory_space<vmem>>
          %dma_start3A_153 = arith.constant 0 : i32
          %dma_start3A_154 = tpu.memref_slice %arg2[%add3A_148, %dma_start3A_153] : memref<6400x128xi32, #tpu.memory_space<hbm>> -> memref<8x128xi32, #tpu.memory_space<hbm>>
          %dma_start3A_155 = tpu.memref_slice %arg10[%rem3A_145] : memref<2x!tpu.dma_semaphore, #tpu.memory_space<semaphore_mem>> -> memref<1x!tpu.dma_semaphore, #tpu.memory_space<semaphore_mem>>
          %dma_start3A_156 = tpu.memref_squeeze %dma_start3A_155 : memref<1x!tpu.dma_semaphore, #tpu.memory_space<semaphore_mem>> -> memref<!tpu.dma_semaphore, #tpu.memory_space<semaphore_mem>>
          %dma_start3A_157 = arith.constant 0 : i32
          %dma_start3A_158 = arith.constant 0 : i32
          %dma_start3A_159 = tpu.memref_slice %arg7[%rem3A_145, %dma_start3A_157, %dma_start3A_158] : memref<2x8x128xi32, #tpu.memory_space<vmem>> -> memref<1x8x128xi32, #tpu.memory_space<vmem>>
          %dma_start3A_160 = tpu.memref_squeeze %dma_start3A_159 : memref<1x8x128xi32, #tpu.memory_space<vmem>> -> memref<8x128xi32, #tpu.memory_space<vmem>>
          %dma_start3A_161 = arith.constant 0 : i32
          %dma_start3A_162 = tpu.memref_slice %arg2[%add3A_148, %dma_start3A_161] : memref<6400x128xi32, #tpu.memory_space<hbm>> -> memref<8x128xi32, #tpu.memory_space<hbm>>
          tpu.enqueue_dma source(%dma_start3A_162 : memref<8x128xi32, #tpu.memory_space<hbm>>) target(%dma_start3A_160 : memref<8x128xi32, #tpu.memory_space<vmem>>) target_semaphore(%dma_start3A_156 : memref<!tpu.dma_semaphore, #tpu.memory_space<semaphore_mem>>)
        } else {
        }
      } else {
      }
      %ge3A_107 = arith.constant 1 : i32
      %ge3A_108 = arith.cmpi sge, %scan3A_98, %ge3A_107 : i32
      %le3A = arith.constant 200 : i32
      %le3A_109 = arith.cmpi sle, %scan3A_98, %le3A : i32
      %and3A_110 = arith.andi %ge3A_108, %le3A_109 : i1
      %convert_element_type3A_111 = arith.extui %and3A_110 : i1 to i32
      %cond3A_112 = arith.constant 0 : i32
      %cond3A_113 = arith.cmpi ne, %convert_element_type3A_111, %cond3A_112 : i32
      scf.if %cond3A_113 {
        %sub3A = arith.constant 1 : i32
        %sub3A_119 = arith.subi %scan3A_98, %sub3A : i32
        %rem3A_120 = arith.constant 8 : i32
        %rem3A_121 = arith.remsi %sub3A_119, %rem3A_120 : i32
        %jit3A = arith.constant 8 : i32
        %div3A = arith.divsi %sub3A_119, %jit3A : i32
        %sign3A = arith.constant 0 : i32
        %sign3A_122 = arith.cmpi sgt, %sub3A_119, %sign3A : i32
        %sign3A_123 = arith.extui %sign3A_122 : i1 to i32
        %sign3A_124 = arith.constant 0 : i32
        %sign3A_125 = arith.cmpi slt, %sub3A_119, %sign3A_124 : i32
        %sign3A_126 = arith.extui %sign3A_125 : i1 to i32
        %sign3A_127 = arith.subi %sign3A_123, %sign3A_126 : i32
        %sign3A_128 = arith.constant 0 : i32
        %sign3A_129 = arith.cmpi sgt, %jit3A, %sign3A_128 : i32
        %sign3A_130 = arith.extui %sign3A_129 : i1 to i32
        %sign3A_131 = arith.constant 0 : i32
        %sign3A_132 = arith.cmpi slt, %jit3A, %sign3A_131 : i32
        %sign3A_133 = arith.extui %sign3A_132 : i1 to i32
        %sign3A_134 = arith.subi %sign3A_130, %sign3A_133 : i32
        %ne3A = arith.cmpi ne, %sign3A_127, %sign3A_134 : i32
        %rem3A_135 = arith.remsi %sub3A_119, %jit3A : i32
        %ne3A_136 = arith.constant 0 : i32
        %ne3A_137 = arith.cmpi ne, %rem3A_135, %ne3A_136 : i32
        %and3A_138 = arith.andi %ne3A, %ne3A_137 : i1
        %sub3A_139 = arith.constant 1 : i32
        %sub3A_140 = arith.subi %div3A, %sub3A_139 : i32
        %select_n3A = arith.select %and3A_138, %sub3A_140, %div3A : i32
        %rem3A_141 = arith.constant 2 : i32
        %rem3A_142 = arith.remsi %select_n3A, %rem3A_141 : i32
        %rem3A_143 = arith.constant 2 : i32
        %rem3A_144 = arith.remsi %sub3A_119, %rem3A_143 : i32
        %eq3A_145 = arith.constant 0 : i32
        %eq3A_146 = arith.cmpi eq, %rem3A_121, %eq3A_145 : i32
        %convert_element_type3A_147 = arith.extui %eq3A_146 : i1 to i32
        %cond3A_148 = arith.constant 0 : i32
        %cond3A_149 = arith.cmpi ne, %convert_element_type3A_147, %cond3A_148 : i32
        scf.if %cond3A_149 {
          %dma_wait3A_162 = arith.constant 0 : i32
          %dma_wait3A_163 = arith.constant 0 : i32
          %dma_wait3A_164 = tpu.memref_slice %arg7[%rem3A_142, %dma_wait3A_162, %dma_wait3A_163] : memref<2x8x128xi32, #tpu.memory_space<vmem>> -> memref<1x8x128xi32, #tpu.memory_space<vmem>>
          %dma_wait3A_165 = tpu.memref_squeeze %dma_wait3A_164 : memref<1x8x128xi32, #tpu.memory_space<vmem>> -> memref<8x128xi32, #tpu.memory_space<vmem>>
          %dma_wait3A_166 = arith.constant 0 : i32
          %dma_wait3A_167 = arith.constant 0 : i32
          %dma_wait3A_168 = tpu.memref_slice %arg2[%dma_wait3A_166, %dma_wait3A_167] : memref<6400x128xi32, #tpu.memory_space<hbm>> -> memref<8x128xi32, #tpu.memory_space<hbm>>
          %dma_wait3A_169 = tpu.memref_slice %arg10[%rem3A_142] : memref<2x!tpu.dma_semaphore, #tpu.memory_space<semaphore_mem>> -> memref<1x!tpu.dma_semaphore, #tpu.memory_space<semaphore_mem>>
          %dma_wait3A_170 = tpu.memref_squeeze %dma_wait3A_169 : memref<1x!tpu.dma_semaphore, #tpu.memory_space<semaphore_mem>> -> memref<!tpu.dma_semaphore, #tpu.memory_space<semaphore_mem>>
          %dma_wait3A_171 = arith.constant 0 : i32
          %dma_wait3A_172 = arith.constant 0 : i32
          %dma_wait3A_173 = tpu.memref_slice %arg7[%rem3A_142, %dma_wait3A_171, %dma_wait3A_172] : memref<2x8x128xi32, #tpu.memory_space<vmem>> -> memref<1x8x128xi32, #tpu.memory_space<vmem>>
          %dma_wait3A_174 = tpu.memref_squeeze %dma_wait3A_173 : memref<1x8x128xi32, #tpu.memory_space<vmem>> -> memref<8x128xi32, #tpu.memory_space<vmem>>
          %dma_wait3A_175 = arith.constant 0 : i32
          %dma_wait3A_176 = arith.constant 0 : i32
          %dma_wait3A_177 = tpu.memref_slice %arg2[%dma_wait3A_175, %dma_wait3A_176] : memref<6400x128xi32, #tpu.memory_space<hbm>> -> memref<8x128xi32, #tpu.memory_space<hbm>>
          tpu.wait_dma2 semaphore(%dma_wait3A_170 : memref<!tpu.dma_semaphore, #tpu.memory_space<semaphore_mem>>) src(%dma_wait3A_177 : memref<8x128xi32, #tpu.memory_space<hbm>>) dst(%dma_wait3A_174 : memref<8x128xi32, #tpu.memory_space<vmem>>)
        } else {
        }
        %dma_start3A_150 = arith.constant 0 : i32
        %dma_start3A_151 = arith.constant 0 : i32
        %dma_start3A_152 = tpu.memref_slice %arg8[%rem3A_144, %dma_start3A_150, %dma_start3A_151] : memref<2x128x128xf32, #tpu.memory_space<vmem>> -> memref<1x128x128xf32, #tpu.memory_space<vmem>>
        %dma_start3A_153 = tpu.memref_squeeze %dma_start3A_152 : memref<1x128x128xf32, #tpu.memory_space<vmem>> -> memref<128x128xf32, #tpu.memory_space<vmem>>
        %dma_start3A_154 = arith.constant 0 : i32
        %dma_start3A_155 = tpu.memref_slice %arg7[%rem3A_142, %rem3A_121, %dma_start3A_154] : memref<2x8x128xi32, #tpu.memory_space<vmem>> -> memref<1x1x128xi32, #tpu.memory_space<vmem>>
        %dma_start3A_156 = tpu.memref_squeeze %dma_start3A_155 : memref<1x1x128xi32, #tpu.memory_space<vmem>> -> memref<128xi32, #tpu.memory_space<vmem>>
        %dma_start3A_157 = arith.constant 0 : i32
        %dma_start3A_158 = arith.constant 0 : i32
        %dma_start3A_159 = tpu.memref_slice %arg3[%dma_start3A_157, %dma_start3A_158] : memref<100000x128xf32, #tpu.memory_space<hbm>> -> memref<100000x128xf32, #tpu.memory_space<hbm>>
        %dma_start3A_160 = tpu.memref_slice %arg11[%rem3A_144] : memref<2x!tpu.dma_semaphore, #tpu.memory_space<semaphore_mem>> -> memref<1x!tpu.dma_semaphore, #tpu.memory_space<semaphore_mem>>
        %dma_start3A_161 = tpu.memref_squeeze %dma_start3A_160 : memref<1x!tpu.dma_semaphore, #tpu.memory_space<semaphore_mem>> -> memref<!tpu.dma_semaphore, #tpu.memory_space<semaphore_mem>>
        tpu.enqueue_indirect_dma source(%dma_start3A_159 : memref<100000x128xf32, #tpu.memory_space<hbm>>) target(%dma_start3A_153 : memref<128x128xf32, #tpu.memory_space<vmem>>) offsets(%dma_start3A_156 : memref<128xi32, #tpu.memory_space<vmem>>) semaphore(%dma_start3A_161 : memref<!tpu.dma_semaphore, #tpu.memory_space<semaphore_mem>>)
      } else {
      }
      %ge3A_114 = arith.constant 2 : i32
      %ge3A_115 = arith.cmpi sge, %scan3A_98, %ge3A_114 : i32
      %convert_element_type3A_116 = arith.extui %ge3A_115 : i1 to i32
      %cond3A_117 = arith.constant 0 : i32
      %cond3A_118 = arith.cmpi ne, %convert_element_type3A_116, %cond3A_117 : i32
      scf.if %cond3A_118 {
        %sub3A = arith.constant 2 : i32
        %sub3A_119 = arith.subi %scan3A_98, %sub3A : i32
        %rem3A_120 = arith.constant 2 : i32
        %rem3A_121 = arith.remsi %sub3A_119, %rem3A_120 : i32
        %rem3A_122 = arith.constant 4 : i32
        %rem3A_123 = arith.remsi %sub3A_119, %rem3A_122 : i32
        %dma_wait3A_124 = arith.constant 0 : i32
        %dma_wait3A_125 = arith.constant 0 : i32
        %dma_wait3A_126 = arith.constant 0 : i32
        %dma_wait3A_127 = arith.constant 0 : i32
        %dma_wait3A_128 = tpu.memref_slice %arg8[%rem3A_121, %dma_wait3A_126, %dma_wait3A_127] : memref<2x128x128xf32, #tpu.memory_space<vmem>> -> memref<1x128x128xf32, #tpu.memory_space<vmem>>
        %dma_wait3A_129 = tpu.memref_squeeze %dma_wait3A_128 : memref<1x128x128xf32, #tpu.memory_space<vmem>> -> memref<128x128xf32, #tpu.memory_space<vmem>>
        %dma_wait3A_130 = arith.constant 0 : i32
        %dma_wait3A_131 = tpu.memref_slice %arg7[%dma_wait3A_124, %dma_wait3A_125, %dma_wait3A_130] : memref<2x8x128xi32, #tpu.memory_space<vmem>> -> memref<1x1x128xi32, #tpu.memory_space<vmem>>
        %dma_wait3A_132 = tpu.memref_squeeze %dma_wait3A_131 : memref<1x1x128xi32, #tpu.memory_space<vmem>> -> memref<128xi32, #tpu.memory_space<vmem>>
        %dma_wait3A_133 = arith.constant 0 : i32
        %dma_wait3A_134 = arith.constant 0 : i32
        %dma_wait3A_135 = tpu.memref_slice %arg3[%dma_wait3A_133, %dma_wait3A_134] : memref<100000x128xf32, #tpu.memory_space<hbm>> -> memref<100000x128xf32, #tpu.memory_space<hbm>>
        %dma_wait3A_136 = tpu.memref_slice %arg11[%rem3A_121] : memref<2x!tpu.dma_semaphore, #tpu.memory_space<semaphore_mem>> -> memref<1x!tpu.dma_semaphore, #tpu.memory_space<semaphore_mem>>
        %dma_wait3A_137 = tpu.memref_squeeze %dma_wait3A_136 : memref<1x!tpu.dma_semaphore, #tpu.memory_space<semaphore_mem>> -> memref<!tpu.dma_semaphore, #tpu.memory_space<semaphore_mem>>
        tpu.wait_indirect_dma semaphore(%dma_wait3A_137 : memref<!tpu.dma_semaphore, #tpu.memory_space<semaphore_mem>>) src(%dma_wait3A_135 : memref<100000x128xf32, #tpu.memory_space<hbm>>) dst(%dma_wait3A_129 : memref<128x128xf32, #tpu.memory_space<vmem>>)
        %mul3A_138 = arith.constant 128 : i32
        %mul3A_139 = arith.muli %sub3A_119, %mul3A_138 : i32
        %rem3A_140 = arith.constant 200 : i32
        %rem3A_141 = arith.remsi %mul3A_139, %rem3A_140 : i32
        %sub3A_142 = arith.constant 200 : i32
        %sub3A_143 = arith.subi %sub3A_142, %rem3A_141 : i32
        %min3A = arith.constant 128 : i32
        %min3A_144 = arith.minsi %sub3A_143, %min3A : i32
        %parallel_loop3A = arith.constant 0 : i32
        %parallel_loop3A_145 = arith.constant 1 : i32
        scf.for %parallel_loop3A_167 = %parallel_loop3A to %min3A_144 step %parallel_loop3A_145  : i32 {
          %parallel_loop3A_168 = arith.addi %parallel_loop3A_167, %rem3A_141 : i32
          %parallel_loop3A_169 = arith.index_cast %parallel_loop3A_168 : i32 to index
          %parallel_loop3A_170 = arith.constant 0 : index
          %parallel_loop3A_171 = tpu.vector_load %arg6[%parallel_loop3A_169, %parallel_loop3A_170] {strides = array<i32>} : memref<200x64xf32, #tpu.memory_space<vmem>>, vector<1x16xf32>,
          %parallel_loop3A_172 = vector.shape_cast %parallel_loop3A_171 : vector<1x16xf32> to vector<16xf32>
          %parallel_loop3A_173 = arith.index_cast %rem3A_121 : i32 to index
          %parallel_loop3A_174 = arith.index_cast %parallel_loop3A_167 : i32 to index
          %parallel_loop3A_175 = arith.constant 0 : index
          %parallel_loop3A_176 = tpu.vector_load %arg8[%parallel_loop3A_173, %parallel_loop3A_174, %parallel_loop3A_175] {strides = array<i32>} : memref<2x128x128xf32, #tpu.memory_space<vmem>>, vector<1x1x16xf32>,
          %parallel_loop3A_177 = vector.shape_cast %parallel_loop3A_176 : vector<1x1x16xf32> to vector<16xf32>
          %parallel_loop3A_178 = arith.addf %parallel_loop3A_177, %parallel_loop3A_172 : vector<16xf32>
          %parallel_loop3A_179 = arith.index_cast %rem3A_123 : i32 to index
          %parallel_loop3A_180 = arith.index_cast %parallel_loop3A_167 : i32 to index
          %parallel_loop3A_181 = arith.constant 0 : index
          %parallel_loop3A_182 = tpu.vector_load %arg9[%parallel_loop3A_179, %parallel_loop3A_180, %parallel_loop3A_181] {strides = array<i32>} : memref<4x128x64xf32, #tpu.memory_space<vmem>>, vector<1x1x16xf32>,
          %parallel_loop3A_183 = vector.shape_cast %parallel_loop3A_182 : vector<1x1x16xf32> to vector<16xf32>
          %parallel_loop3A_184 = vector.shape_cast %parallel_loop3A_178 : vector<16xf32> to vector<1x1x16xf32>
          tpu.vector_store %arg9[%parallel_loop3A_179, %parallel_loop3A_180, %parallel_loop3A_181], %parallel_loop3A_184 {strides = array<i32>} : memref<4x128x64xf32, #tpu.memory_space<vmem>>, vector<1x1x16xf32>,
          %parallel_loop3A_185 = arith.addi %parallel_loop3A_167, %rem3A_141 : i32
          %parallel_loop3A_186 = arith.index_cast %parallel_loop3A_185 : i32 to index
          %parallel_loop3A_187 = arith.constant 16 : index
          %parallel_loop3A_188 = tpu.vector_load %arg6[%parallel_loop3A_186, %parallel_loop3A_187] {strides = array<i32>} : memref<200x64xf32, #tpu.memory_space<vmem>>, vector<1x16xf32>,
          %parallel_loop3A_189 = vector.shape_cast %parallel_loop3A_188 : vector<1x16xf32> to vector<16xf32>
          %parallel_loop3A_190 = arith.index_cast %rem3A_121 : i32 to index
          %parallel_loop3A_191 = arith.index_cast %parallel_loop3A_167 : i32 to index
          %parallel_loop3A_192 = arith.constant 16 : index
          %parallel_loop3A_193 = tpu.vector_load %arg8[%parallel_loop3A_190, %parallel_loop3A_191, %parallel_loop3A_192] {strides = array<i32>} : memref<2x128x128xf32, #tpu.memory_space<vmem>>, vector<1x1x16xf32>,
          %parallel_loop3A_194 = vector.shape_cast %parallel_loop3A_193 : vector<1x1x16xf32> to vector<16xf32>
          %parallel_loop3A_195 = arith.addf %parallel_loop3A_194, %parallel_loop3A_189 : vector<16xf32>
          %parallel_loop3A_196 = arith.index_cast %rem3A_123 : i32 to index
          %parallel_loop3A_197 = arith.index_cast %parallel_loop3A_167 : i32 to index
          %parallel_loop3A_198 = arith.constant 16 : index
          %parallel_loop3A_199 = tpu.vector_load %arg9[%parallel_loop3A_196, %parallel_loop3A_197, %parallel_loop3A_198] {strides = array<i32>} : memref<4x128x64xf32, #tpu.memory_space<vmem>>, vector<1x1x16xf32>,
          %parallel_loop3A_200 = vector.shape_cast %parallel_loop3A_199 : vector<1x1x16xf32> to vector<16xf32>
          %parallel_loop3A_201 = vector.shape_cast %parallel_loop3A_195 : vector<16xf32> to vector<1x1x16xf32>
          tpu.vector_store %arg9[%parallel_loop3A_196, %parallel_loop3A_197, %parallel_loop3A_198], %parallel_loop3A_201 {strides = array<i32>} : memref<4x128x64xf32, #tpu.memory_space<vmem>>, vector<1x1x16xf32>,
          %parallel_loop3A_202 = arith.addi %parallel_loop3A_167, %rem3A_141 : i32
          %parallel_loop3A_203 = arith.index_cast %parallel_loop3A_202 : i32 to index
          %parallel_loop3A_204 = arith.constant 32 : index
          %parallel_loop3A_205 = tpu.vector_load %arg6[%parallel_loop3A_203, %parallel_loop3A_204] {strides = array<i32>} : memref<200x64xf32, #tpu.memory_space<vmem>>, vector<1x16xf32>,
          %parallel_loop3A_206 = vector.shape_cast %parallel_loop3A_205 : vector<1x16xf32> to vector<16xf32>
          %parallel_loop3A_207 = arith.index_cast %rem3A_121 : i32 to index
          %parallel_loop3A_208 = arith.index_cast %parallel_loop3A_167 : i32 to index
          %parallel_loop3A_209 = arith.constant 32 : index
          %parallel_loop3A_210 = tpu.vector_load %arg8[%parallel_loop3A_207, %parallel_loop3A_208, %parallel_loop3A_209] {strides = array<i32>} : memref<2x128x128xf32, #tpu.memory_space<vmem>>, vector<1x1x16xf32>,
          %parallel_loop3A_211 = vector.shape_cast %parallel_loop3A_210 : vector<1x1x16xf32> to vector<16xf32>
          %parallel_loop3A_212 = arith.addf %parallel_loop3A_211, %parallel_loop3A_206 : vector<16xf32>
          %parallel_loop3A_213 = arith.index_cast %rem3A_123 : i32 to index
          %parallel_loop3A_214 = arith.index_cast %parallel_loop3A_167 : i32 to index
          %parallel_loop3A_215 = arith.constant 32 : index
          %parallel_loop3A_216 = tpu.vector_load %arg9[%parallel_loop3A_213, %parallel_loop3A_214, %parallel_loop3A_215] {strides = array<i32>} : memref<4x128x64xf32, #tpu.memory_space<vmem>>, vector<1x1x16xf32>,
          %parallel_loop3A_217 = vector.shape_cast %parallel_loop3A_216 : vector<1x1x16xf32> to vector<16xf32>
          %parallel_loop3A_218 = vector.shape_cast %parallel_loop3A_212 : vector<16xf32> to vector<1x1x16xf32>
          tpu.vector_store %arg9[%parallel_loop3A_213, %parallel_loop3A_214, %parallel_loop3A_215], %parallel_loop3A_218 {strides = array<i32>} : memref<4x128x64xf32, #tpu.memory_space<vmem>>, vector<1x1x16xf32>,
          %parallel_loop3A_219 = arith.addi %parallel_loop3A_167, %rem3A_141 : i32
          %parallel_loop3A_220 = arith.index_cast %parallel_loop3A_219 : i32 to index
          %parallel_loop3A_221 = arith.constant 48 : index
          %parallel_loop3A_222 = tpu.vector_load %arg6[%parallel_loop3A_220, %parallel_loop3A_221] {strides = array<i32>} : memref<200x64xf32, #tpu.memory_space<vmem>>, vector<1x16xf32>,
          %parallel_loop3A_223 = vector.shape_cast %parallel_loop3A_222 : vector<1x16xf32> to vector<16xf32>
          %parallel_loop3A_224 = arith.index_cast %rem3A_121 : i32 to index
          %parallel_loop3A_225 = arith.index_cast %parallel_loop3A_167 : i32 to index
          %parallel_loop3A_226 = arith.constant 48 : index
          %parallel_loop3A_227 = tpu.vector_load %arg8[%parallel_loop3A_224, %parallel_loop3A_225, %parallel_loop3A_226] {strides = array<i32>} : memref<2x128x128xf32, #tpu.memory_space<vmem>>, vector<1x1x16xf32>,
          %parallel_loop3A_228 = vector.shape_cast %parallel_loop3A_227 : vector<1x1x16xf32> to vector<16xf32>
          %parallel_loop3A_229 = arith.addf %parallel_loop3A_228, %parallel_loop3A_223 : vector<16xf32>
          %parallel_loop3A_230 = arith.index_cast %rem3A_123 : i32 to index
          %parallel_loop3A_231 = arith.index_cast %parallel_loop3A_167 : i32 to index
          %parallel_loop3A_232 = arith.constant 48 : index
          %parallel_loop3A_233 = tpu.vector_load %arg9[%parallel_loop3A_230, %parallel_loop3A_231, %parallel_loop3A_232] {strides = array<i32>} : memref<4x128x64xf32, #tpu.memory_space<vmem>>, vector<1x1x16xf32>,
          %parallel_loop3A_234 = vector.shape_cast %parallel_loop3A_233 : vector<1x1x16xf32> to vector<16xf32>
          %parallel_loop3A_235 = vector.shape_cast %parallel_loop3A_229 : vector<16xf32> to vector<1x1x16xf32>
          tpu.vector_store %arg9[%parallel_loop3A_230, %parallel_loop3A_231, %parallel_loop3A_232], %parallel_loop3A_235 {strides = array<i32>} : memref<4x128x64xf32, #tpu.memory_space<vmem>>, vector<1x1x16xf32>,
        } {sc.loop_unroll_factor = 8 : i64, sc.parallel_access}
        %sub3A_146 = arith.constant 200 : i32
        %sub3A_147 = arith.subi %rem3A_141, %sub3A_146 : i32
        %parallel_loop3A_148 = arith.constant 128 : i32
        %parallel_loop3A_149 = arith.constant 1 : i32
        scf.for %parallel_loop3A_167 = %min3A_144 to %parallel_loop3A_148 step %parallel_loop3A_149  : i32 {
          %parallel_loop3A_168 = arith.addi %parallel_loop3A_167, %sub3A_147 : i32
          %parallel_loop3A_169 = arith.index_cast %parallel_loop3A_168 : i32 to index
          %parallel_loop3A_170 = arith.constant 0 : index
          %parallel_loop3A_171 = tpu.vector_load %arg6[%parallel_loop3A_169, %parallel_loop3A_170] {strides = array<i32>} : memref<200x64xf32, #tpu.memory_space<vmem>>, vector<1x16xf32>,
          %parallel_loop3A_172 = vector.shape_cast %parallel_loop3A_171 : vector<1x16xf32> to vector<16xf32>
          %parallel_loop3A_173 = arith.index_cast %rem3A_121 : i32 to index
          %parallel_loop3A_174 = arith.index_cast %parallel_loop3A_167 : i32 to index
          %parallel_loop3A_175 = arith.constant 0 : index
          %parallel_loop3A_176 = tpu.vector_load %arg8[%parallel_loop3A_173, %parallel_loop3A_174, %parallel_loop3A_175] {strides = array<i32>} : memref<2x128x128xf32, #tpu.memory_space<vmem>>, vector<1x1x16xf32>,
          %parallel_loop3A_177 = vector.shape_cast %parallel_loop3A_176 : vector<1x1x16xf32> to vector<16xf32>
          %parallel_loop3A_178 = arith.addf %parallel_loop3A_177, %parallel_loop3A_172 : vector<16xf32>
          %parallel_loop3A_179 = arith.index_cast %rem3A_123 : i32 to index
          %parallel_loop3A_180 = arith.index_cast %parallel_loop3A_167 : i32 to index
          %parallel_loop3A_181 = arith.constant 0 : index
          %parallel_loop3A_182 = tpu.vector_load %arg9[%parallel_loop3A_179, %parallel_loop3A_180, %parallel_loop3A_181] {strides = array<i32>} : memref<4x128x64xf32, #tpu.memory_space<vmem>>, vector<1x1x16xf32>,
          %parallel_loop3A_183 = vector.shape_cast %parallel_loop3A_182 : vector<1x1x16xf32> to vector<16xf32>
          %parallel_loop3A_184 = vector.shape_cast %parallel_loop3A_178 : vector<16xf32> to vector<1x1x16xf32>
          tpu.vector_store %arg9[%parallel_loop3A_179, %parallel_loop3A_180, %parallel_loop3A_181], %parallel_loop3A_184 {strides = array<i32>} : memref<4x128x64xf32, #tpu.memory_space<vmem>>, vector<1x1x16xf32>,
          %parallel_loop3A_185 = arith.addi %parallel_loop3A_167, %sub3A_147 : i32
          %parallel_loop3A_186 = arith.index_cast %parallel_loop3A_185 : i32 to index
          %parallel_loop3A_187 = arith.constant 16 : index
          %parallel_loop3A_188 = tpu.vector_load %arg6[%parallel_loop3A_186, %parallel_loop3A_187] {strides = array<i32>} : memref<200x64xf32, #tpu.memory_space<vmem>>, vector<1x16xf32>,
          %parallel_loop3A_189 = vector.shape_cast %parallel_loop3A_188 : vector<1x16xf32> to vector<16xf32>
          %parallel_loop3A_190 = arith.index_cast %rem3A_121 : i32 to index
          %parallel_loop3A_191 = arith.index_cast %parallel_loop3A_167 : i32 to index
          %parallel_loop3A_192 = arith.constant 16 : index
          %parallel_loop3A_193 = tpu.vector_load %arg8[%parallel_loop3A_190, %parallel_loop3A_191, %parallel_loop3A_192] {strides = array<i32>} : memref<2x128x128xf32, #tpu.memory_space<vmem>>, vector<1x1x16xf32>,
          %parallel_loop3A_194 = vector.shape_cast %parallel_loop3A_193 : vector<1x1x16xf32> to vector<16xf32>
          %parallel_loop3A_195 = arith.addf %parallel_loop3A_194, %parallel_loop3A_189 : vector<16xf32>
          %parallel_loop3A_196 = arith.index_cast %rem3A_123 : i32 to index
          %parallel_loop3A_197 = arith.index_cast %parallel_loop3A_167 : i32 to index
          %parallel_loop3A_198 = arith.constant 16 : index
          %parallel_loop3A_199 = tpu.vector_load %arg9[%parallel_loop3A_196, %parallel_loop3A_197, %parallel_loop3A_198] {strides = array<i32>} : memref<4x128x64xf32, #tpu.memory_space<vmem>>, vector<1x1x16xf32>,
          %parallel_loop3A_200 = vector.shape_cast %parallel_loop3A_199 : vector<1x1x16xf32> to vector<16xf32>
          %parallel_loop3A_201 = vector.shape_cast %parallel_loop3A_195 : vector<16xf32> to vector<1x1x16xf32>
          tpu.vector_store %arg9[%parallel_loop3A_196, %parallel_loop3A_197, %parallel_loop3A_198], %parallel_loop3A_201 {strides = array<i32>} : memref<4x128x64xf32, #tpu.memory_space<vmem>>, vector<1x1x16xf32>,
          %parallel_loop3A_202 = arith.addi %parallel_loop3A_167, %sub3A_147 : i32
          %parallel_loop3A_203 = arith.index_cast %parallel_loop3A_202 : i32 to index
          %parallel_loop3A_204 = arith.constant 32 : index
          %parallel_loop3A_205 = tpu.vector_load %arg6[%parallel_loop3A_203, %parallel_loop3A_204] {strides = array<i32>} : memref<200x64xf32, #tpu.memory_space<vmem>>, vector<1x16xf32>,
          %parallel_loop3A_206 = vector.shape_cast %parallel_loop3A_205 : vector<1x16xf32> to vector<16xf32>
          %parallel_loop3A_207 = arith.index_cast %rem3A_121 : i32 to index
          %parallel_loop3A_208 = arith.index_cast %parallel_loop3A_167 : i32 to index
          %parallel_loop3A_209 = arith.constant 32 : index
          %parallel_loop3A_210 = tpu.vector_load %arg8[%parallel_loop3A_207, %parallel_loop3A_208, %parallel_loop3A_209] {strides = array<i32>} : memref<2x128x128xf32, #tpu.memory_space<vmem>>, vector<1x1x16xf32>,
          %parallel_loop3A_211 = vector.shape_cast %parallel_loop3A_210 : vector<1x1x16xf32> to vector<16xf32>
          %parallel_loop3A_212 = arith.addf %parallel_loop3A_211, %parallel_loop3A_206 : vector<16xf32>
          %parallel_loop3A_213 = arith.index_cast %rem3A_123 : i32 to index
          %parallel_loop3A_214 = arith.index_cast %parallel_loop3A_167 : i32 to index
          %parallel_loop3A_215 = arith.constant 32 : index
          %parallel_loop3A_216 = tpu.vector_load %arg9[%parallel_loop3A_213, %parallel_loop3A_214, %parallel_loop3A_215] {strides = array<i32>} : memref<4x128x64xf32, #tpu.memory_space<vmem>>, vector<1x1x16xf32>,
          %parallel_loop3A_217 = vector.shape_cast %parallel_loop3A_216 : vector<1x1x16xf32> to vector<16xf32>
          %parallel_loop3A_218 = vector.shape_cast %parallel_loop3A_212 : vector<16xf32> to vector<1x1x16xf32>
          tpu.vector_store %arg9[%parallel_loop3A_213, %parallel_loop3A_214, %parallel_loop3A_215], %parallel_loop3A_218 {strides = array<i32>} : memref<4x128x64xf32, #tpu.memory_space<vmem>>, vector<1x1x16xf32>,
          %parallel_loop3A_219 = arith.addi %parallel_loop3A_167, %sub3A_147 : i32
          %parallel_loop3A_220 = arith.index_cast %parallel_loop3A_219 : i32 to index
          %parallel_loop3A_221 = arith.constant 48 : index
          %parallel_loop3A_222 = tpu.vector_load %arg6[%parallel_loop3A_220, %parallel_loop3A_221] {strides = array<i32>} : memref<200x64xf32, #tpu.memory_space<vmem>>, vector<1x16xf32>,
          %parallel_loop3A_223 = vector.shape_cast %parallel_loop3A_222 : vector<1x16xf32> to vector<16xf32>
          %parallel_loop3A_224 = arith.index_cast %rem3A_121 : i32 to index
          %parallel_loop3A_225 = arith.index_cast %parallel_loop3A_167 : i32 to index
          %parallel_loop3A_226 = arith.constant 48 : index
          %parallel_loop3A_227 = tpu.vector_load %arg8[%parallel_loop3A_224, %parallel_loop3A_225, %parallel_loop3A_226] {strides = array<i32>} : memref<2x128x128xf32, #tpu.memory_space<vmem>>, vector<1x1x16xf32>,
          %parallel_loop3A_228 = vector.shape_cast %parallel_loop3A_227 : vector<1x1x16xf32> to vector<16xf32>
          %parallel_loop3A_229 = arith.addf %parallel_loop3A_228, %parallel_loop3A_223 : vector<16xf32>
          %parallel_loop3A_230 = arith.index_cast %rem3A_123 : i32 to index
          %parallel_loop3A_231 = arith.index_cast %parallel_loop3A_167 : i32 to index
          %parallel_loop3A_232 = arith.constant 48 : index
          %parallel_loop3A_233 = tpu.vector_load %arg9[%parallel_loop3A_230, %parallel_loop3A_231, %parallel_loop3A_232] {strides = array<i32>} : memref<4x128x64xf32, #tpu.memory_space<vmem>>, vector<1x1x16xf32>,
          %parallel_loop3A_234 = vector.shape_cast %parallel_loop3A_233 : vector<1x1x16xf32> to vector<16xf32>
          %parallel_loop3A_235 = vector.shape_cast %parallel_loop3A_229 : vector<16xf32> to vector<1x1x16xf32>
          tpu.vector_store %arg9[%parallel_loop3A_230, %parallel_loop3A_231, %parallel_loop3A_232], %parallel_loop3A_235 {strides = array<i32>} : memref<4x128x64xf32, #tpu.memory_space<vmem>>, vector<1x1x16xf32>,
        } {sc.loop_unroll_factor = 8 : i64, sc.parallel_access}
        %mul3A_150 = arith.constant 128 : i32
        %mul3A_151 = arith.muli %sub3A_119, %mul3A_150 : i32
        %add3A_152 = arith.addi %mul3A_2, %mul3A_151 : i32
        %dma_start3A_153 = arith.constant 0 : i32
        %dma_start3A_154 = arith.constant 0 : i32
        %dma_start3A_155 = tpu.memref_slice %arg9[%rem3A_123, %dma_start3A_153, %dma_start3A_154] : memref<4x128x64xf32, #tpu.memory_space<vmem>> -> memref<1x128x64xf32, #tpu.memory_space<vmem>>
        %dma_start3A_156 = tpu.memref_squeeze %dma_start3A_155 : memref<1x128x64xf32, #tpu.memory_space<vmem>> -> memref<128x64xf32, #tpu.memory_space<vmem>>
        %dma_start3A_157 = arith.constant 0 : i32
        %dma_start3A_158 = tpu.memref_slice %arg5[%add3A_152, %dma_start3A_157] : memref<819200x64xf32, #tpu.memory_space<hbm>> -> memref<128x64xf32, #tpu.memory_space<hbm>>
        %dma_start3A_159 = tpu.memref_slice %arg12[%rem3A_123] : memref<4x!tpu.dma_semaphore, #tpu.memory_space<semaphore_mem>> -> memref<1x!tpu.dma_semaphore, #tpu.memory_space<semaphore_mem>>
        %dma_start3A_160 = tpu.memref_squeeze %dma_start3A_159 : memref<1x!tpu.dma_semaphore, #tpu.memory_space<semaphore_mem>> -> memref<!tpu.dma_semaphore, #tpu.memory_space<semaphore_mem>>
        %dma_start3A_161 = arith.constant 0 : i32
        %dma_start3A_162 = tpu.memref_slice %arg5[%add3A_152, %dma_start3A_161] : memref<819200x64xf32, #tpu.memory_space<hbm>> -> memref<128x64xf32, #tpu.memory_space<hbm>>
        %dma_start3A_163 = arith.constant 0 : i32
        %dma_start3A_164 = arith.constant 0 : i32
        %dma_start3A_165 = tpu.memref_slice %arg9[%rem3A_123, %dma_start3A_163, %dma_start3A_164] : memref<4x128x64xf32, #tpu.memory_space<vmem>> -> memref<1x128x64xf32, #tpu.memory_space<vmem>>
        %dma_start3A_166 = tpu.memref_squeeze %dma_start3A_165 : memref<1x128x64xf32, #tpu.memory_space<vmem>> -> memref<128x64xf32, #tpu.memory_space<vmem>>
        tpu.enqueue_dma source(%dma_start3A_166 : memref<128x64xf32, #tpu.memory_space<vmem>>) target(%dma_start3A_162 : memref<128x64xf32, #tpu.memory_space<hbm>>) target_semaphore(%dma_start3A_160 : memref<!tpu.dma_semaphore, #tpu.memory_space<semaphore_mem>>)
      } else {
      }
    }
    %scan3A_26 = arith.constant 202 : i32
    %dma_wait3A = arith.constant 0 : i32
    %dma_wait3A_27 = arith.constant 0 : i32
    %dma_wait3A_28 = arith.constant 0 : i32
    %dma_wait3A_29 = arith.constant 0 : i32
    %dma_wait3A_30 = tpu.memref_slice %arg9[%dma_wait3A, %dma_wait3A_28, %dma_wait3A_29] : memref<4x128x64xf32, #tpu.memory_space<vmem>> -> memref<1x128x64xf32, #tpu.memory_space<vmem>>
    %dma_wait3A_31 = tpu.memref_squeeze %dma_wait3A_30 : memref<1x128x64xf32, #tpu.memory_space<vmem>> -> memref<128x64xf32, #tpu.memory_space<vmem>>
    %dma_wait3A_32 = arith.constant 0 : i32
    %dma_wait3A_33 = arith.constant 0 : i32
    %dma_wait3A_34 = tpu.memref_slice %arg5[%dma_wait3A_32, %dma_wait3A_33] : memref<819200x64xf32, #tpu.memory_space<hbm>> -> memref<128x64xf32, #tpu.memory_space<hbm>>
    %dma_wait3A_35 = tpu.memref_slice %arg12[%dma_wait3A_27] : memref<4x!tpu.dma_semaphore, #tpu.memory_space<semaphore_mem>> -> memref<1x!tpu.dma_semaphore, #tpu.memory_space<semaphore_mem>>
    %dma_wait3A_36 = tpu.memref_squeeze %dma_wait3A_35 : memref<1x!tpu.dma_semaphore, #tpu.memory_space<semaphore_mem>> -> memref<!tpu.dma_semaphore, #tpu.memory_space<semaphore_mem>>
    %dma_wait3A_37 = arith.constant 0 : i32
    %dma_wait3A_38 = arith.constant 0 : i32
    %dma_wait3A_39 = tpu.memref_slice %arg5[%dma_wait3A_37, %dma_wait3A_38] : memref<819200x64xf32, #tpu.memory_space<hbm>> -> memref<128x64xf32, #tpu.memory_space<hbm>>
    %dma_wait3A_40 = arith.constant 0 : i32
    %dma_wait3A_41 = arith.constant 0 : i32
    %dma_wait3A_42 = tpu.memref_slice %arg9[%dma_wait3A, %dma_wait3A_40, %dma_wait3A_41] : memref<4x128x64xf32, #tpu.memory_space<vmem>> -> memref<1x128x64xf32, #tpu.memory_space<vmem>>
    %dma_wait3A_43 = tpu.memref_squeeze %dma_wait3A_42 : memref<1x128x64xf32, #tpu.memory_space<vmem>> -> memref<128x64xf32, #tpu.memory_space<vmem>>
    tpu.wait_dma2 semaphore(%dma_wait3A_36 : memref<!tpu.dma_semaphore, #tpu.memory_space<semaphore_mem>>) src(%dma_wait3A_43 : memref<128x64xf32, #tpu.memory_space<vmem>>) dst(%dma_wait3A_39 : memref<128x64xf32, #tpu.memory_space<hbm>>)
    %dma_wait3A_44 = arith.constant 1 : i32
    %dma_wait3A_45 = arith.constant 1 : i32
    %dma_wait3A_46 = arith.constant 0 : i32
    %dma_wait3A_47 = arith.constant 0 : i32
    %dma_wait3A_48 = tpu.memref_slice %arg9[%dma_wait3A_44, %dma_wait3A_46, %dma_wait3A_47] : memref<4x128x64xf32, #tpu.memory_space<vmem>> -> memref<1x128x64xf32, #tpu.memory_space<vmem>>
    %dma_wait3A_49 = tpu.memref_squeeze %dma_wait3A_48 : memref<1x128x64xf32, #tpu.memory_space<vmem>> -> memref<128x64xf32, #tpu.memory_space<vmem>>
    %dma_wait3A_50 = arith.constant 0 : i32
    %dma_wait3A_51 = arith.constant 0 : i32
    %dma_wait3A_52 = tpu.memref_slice %arg5[%dma_wait3A_50, %dma_wait3A_51] : memref<819200x64xf32, #tpu.memory_space<hbm>> -> memref<128x64xf32, #tpu.memory_space<hbm>>
    %dma_wait3A_53 = tpu.memref_slice %arg12[%dma_wait3A_45] : memref<4x!tpu.dma_semaphore, #tpu.memory_space<semaphore_mem>> -> memref<1x!tpu.dma_semaphore, #tpu.memory_space<semaphore_mem>>
    %dma_wait3A_54 = tpu.memref_squeeze %dma_wait3A_53 : memref<1x!tpu.dma_semaphore, #tpu.memory_space<semaphore_mem>> -> memref<!tpu.dma_semaphore, #tpu.memory_space<semaphore_mem>>
    %dma_wait3A_55 = arith.constant 0 : i32
    %dma_wait3A_56 = arith.constant 0 : i32
    %dma_wait3A_57 = tpu.memref_slice %arg5[%dma_wait3A_55, %dma_wait3A_56] : memref<819200x64xf32, #tpu.memory_space<hbm>> -> memref<128x64xf32, #tpu.memory_space<hbm>>
    %dma_wait3A_58 = arith.constant 0 : i32
    %dma_wait3A_59 = arith.constant 0 : i32
    %dma_wait3A_60 = tpu.memref_slice %arg9[%dma_wait3A_44, %dma_wait3A_58, %dma_wait3A_59] : memref<4x128x64xf32, #tpu.memory_space<vmem>> -> memref<1x128x64xf32, #tpu.memory_space<vmem>>
    %dma_wait3A_61 = tpu.memref_squeeze %dma_wait3A_60 : memref<1x128x64xf32, #tpu.memory_space<vmem>> -> memref<128x64xf32, #tpu.memory_space<vmem>>
    tpu.wait_dma2 semaphore(%dma_wait3A_54 : memref<!tpu.dma_semaphore, #tpu.memory_space<semaphore_mem>>) src(%dma_wait3A_61 : memref<128x64xf32, #tpu.memory_space<vmem>>) dst(%dma_wait3A_57 : memref<128x64xf32, #tpu.memory_space<hbm>>)
    %dma_wait3A_62 = arith.constant 2 : i32
    %dma_wait3A_63 = arith.constant 2 : i32
    %dma_wait3A_64 = arith.constant 0 : i32
    %dma_wait3A_65 = arith.constant 0 : i32
    %dma_wait3A_66 = tpu.memref_slice %arg9[%dma_wait3A_62, %dma_wait3A_64, %dma_wait3A_65] : memref<4x128x64xf32, #tpu.memory_space<vmem>> -> memref<1x128x64xf32, #tpu.memory_space<vmem>>
    %dma_wait3A_67 = tpu.memref_squeeze %dma_wait3A_66 : memref<1x128x64xf32, #tpu.memory_space<vmem>> -> memref<128x64xf32, #tpu.memory_space<vmem>>
    %dma_wait3A_68 = arith.constant 0 : i32
    %dma_wait3A_69 = arith.constant 0 : i32
    %dma_wait3A_70 = tpu.memref_slice %arg5[%dma_wait3A_68, %dma_wait3A_69] : memref<819200x64xf32, #tpu.memory_space<hbm>> -> memref<128x64xf32, #tpu.memory_space<hbm>>
    %dma_wait3A_71 = tpu.memref_slice %arg12[%dma_wait3A_63] : memref<4x!tpu.dma_semaphore, #tpu.memory_space<semaphore_mem>> -> memref<1x!tpu.dma_semaphore, #tpu.memory_space<semaphore_mem>>
    %dma_wait3A_72 = tpu.memref_squeeze %dma_wait3A_71 : memref<1x!tpu.dma_semaphore, #tpu.memory_space<semaphore_mem>> -> memref<!tpu.dma_semaphore, #tpu.memory_space<semaphore_mem>>
    %dma_wait3A_73 = arith.constant 0 : i32
    %dma_wait3A_74 = arith.constant 0 : i32
    %dma_wait3A_75 = tpu.memref_slice %arg5[%dma_wait3A_73, %dma_wait3A_74] : memref<819200x64xf32, #tpu.memory_space<hbm>> -> memref<128x64xf32, #tpu.memory_space<hbm>>
    %dma_wait3A_76 = arith.constant 0 : i32
    %dma_wait3A_77 = arith.constant 0 : i32
    %dma_wait3A_78 = tpu.memref_slice %arg9[%dma_wait3A_62, %dma_wait3A_76, %dma_wait3A_77] : memref<4x128x64xf32, #tpu.memory_space<vmem>> -> memref<1x128x64xf32, #tpu.memory_space<vmem>>
    %dma_wait3A_79 = tpu.memref_squeeze %dma_wait3A_78 : memref<1x128x64xf32, #tpu.memory_space<vmem>> -> memref<128x64xf32, #tpu.memory_space<vmem>>
    tpu.wait_dma2 semaphore(%dma_wait3A_72 : memref<!tpu.dma_semaphore, #tpu.memory_space<semaphore_mem>>) src(%dma_wait3A_79 : memref<128x64xf32, #tpu.memory_space<vmem>>) dst(%dma_wait3A_75 : memref<128x64xf32, #tpu.memory_space<hbm>>)
    %dma_wait3A_80 = arith.constant 3 : i32
    %dma_wait3A_81 = arith.constant 3 : i32
    %dma_wait3A_82 = arith.constant 0 : i32
    %dma_wait3A_83 = arith.constant 0 : i32
    %dma_wait3A_84 = tpu.memref_slice %arg9[%dma_wait3A_80, %dma_wait3A_82, %dma_wait3A_83] : memref<4x128x64xf32, #tpu.memory_space<vmem>> -> memref<1x128x64xf32, #tpu.memory_space<vmem>>
    %dma_wait3A_85 = tpu.memref_squeeze %dma_wait3A_84 : memref<1x128x64xf32, #tpu.memory_space<vmem>> -> memref<128x64xf32, #tpu.memory_space<vmem>>
    %dma_wait3A_86 = arith.constant 0 : i32
    %dma_wait3A_87 = arith.constant 0 : i32
    %dma_wait3A_88 = tpu.memref_slice %arg5[%dma_wait3A_86, %dma_wait3A_87] : memref<819200x64xf32, #tpu.memory_space<hbm>> -> memref<128x64xf32, #tpu.memory_space<hbm>>
    %dma_wait3A_89 = tpu.memref_slice %arg12[%dma_wait3A_81] : memref<4x!tpu.dma_semaphore, #tpu.memory_space<semaphore_mem>> -> memref<1x!tpu.dma_semaphore, #tpu.memory_space<semaphore_mem>>
    %dma_wait3A_90 = tpu.memref_squeeze %dma_wait3A_89 : memref<1x!tpu.dma_semaphore, #tpu.memory_space<semaphore_mem>> -> memref<!tpu.dma_semaphore, #tpu.memory_space<semaphore_mem>>
    %dma_wait3A_91 = arith.constant 0 : i32
    %dma_wait3A_92 = arith.constant 0 : i32
    %dma_wait3A_93 = tpu.memref_slice %arg5[%dma_wait3A_91, %dma_wait3A_92] : memref<819200x64xf32, #tpu.memory_space<hbm>> -> memref<128x64xf32, #tpu.memory_space<hbm>>
    %dma_wait3A_94 = arith.constant 0 : i32
    %dma_wait3A_95 = arith.constant 0 : i32
    %dma_wait3A_96 = tpu.memref_slice %arg9[%dma_wait3A_80, %dma_wait3A_94, %dma_wait3A_95] : memref<4x128x64xf32, #tpu.memory_space<vmem>> -> memref<1x128x64xf32, #tpu.memory_space<vmem>>
    %dma_wait3A_97 = tpu.memref_squeeze %dma_wait3A_96 : memref<1x128x64xf32, #tpu.memory_space<vmem>> -> memref<128x64xf32, #tpu.memory_space<vmem>>
    tpu.wait_dma2 semaphore(%dma_wait3A_90 : memref<!tpu.dma_semaphore, #tpu.memory_space<semaphore_mem>>) src(%dma_wait3A_97 : memref<128x64xf32, #tpu.memory_space<vmem>>) dst(%dma_wait3A_93 : memref<128x64xf32, #tpu.memory_space<hbm>>)
    return
  }
}

</mosaic_0001>

<sc_bundles>
// kernel: kernel.3.cloned.1.call-start
scs
__scs_entry_jumppad:
0x0: {  	(pc) =	sbr.rel $0x88, $3  }
0x1: {  	(tag) =	ssettag $0x0;
	lr =	simm.s32 $0x1  }
0x2: {  	[smem:$0x3F9E] =	sst lr;
	_ =	strace $0xD0000000  }
0x3: {  	_ = 	snop  }
0x4: {  	_ = 	snop  }
0x5: {  	_ = 	snop  }
0x6: {  	_ = 	snop  }
0x7: {  	_ = 	snop  }
__scs_overlays_trampoline_lowered:
0x8: {  	[smem:$0x3FAD] =	sst s0  }
0x9: {  	[smem:$0x3FAE] =	sst s1  }
0xa: {  	[smem:$0x3FAF] =	sst s2  }
0xb: {  	[smem:$0x3FB0] =	sst s3  }
0xc: {  	[smem:$0x3FB1] =	sst s4  }
0xd: {  	[smem:$0x3FB2] =	sst s5  }
0xe: {  	[smem:$0x3FB3] =	sst s6  }
0xf: {  	[smem:$0x3FB4] =	sst s7  }
0x10: {  	[smem:$0x3FB5] =	sst s8  }
0x11: {  	[smem:$0x3FB6] =	sst s9;
	s0 =	simm.s32 @!p0 $0x0  }
0x12: {  	s1 =	sld [smem:$0x3F9C];
	s0 =	simm.s32 @p0 $0x1  }
0x13: {  	[smem:$0x3FB7] =	sst s0;
	s0 =	simm.s32 @!p1 $0x0  }
0x14: {  	s2 =	sld [smem:$0x3F9B];
	s0 =	simm.s32 @p1 $0x1  }
0x15: {  	[smem:$0x3FB8] =	sst s0;
	s0 =	simm.s32 @!p2 $0x0  }
0x16: {  	s3 =	sld [smem:$0x3FDB];
	s0 =	simm.s32 @p2 $0x1  }
0x17: {  	s4 =	simm.s32 $0x1BF5;
	[smem:$0x3FBA] =	sst s0  }
0x18: {  	s0 =	sld [smem:$0x3F9D];
	_ =	swait.ge [sflag:s4], $0x0  }
0x19: {  	s7 =	sld [smem:$0x3F9E]  }
0x1a: {  	s8 =	sadd.s32 $0xFFFFE003, lr  }
0x1b: {  	s9 =	sadd.s32 $0xFFFFFEF7, lr;
	s5 =	simm.s32 $0xFFFFFFFF;
	p2 =	slt.u32 s8, $0xFFFFF086  }
0x1c: {  	p1 =	slt.u32 s9, $0xF7A;
	s5 =	simm.s32 @!p2 $0x0  }
0x1d: {  	s5 =	simm.s32 @p1 $0x1;
	p0 =	seq.s32 s7, s2  }
0x1e: {  	s7 =	smul.u32 @!p0 $0xF7A, s2;
	p2 =	seq.s32 @!p0 s5, $0x0  }
0x1f: {  	s9 =	smul.u32 $0xF7A, s1;
	s8 =	simm.s32 @!p0 $0x1BF5;
	p2 =	por !p2, p0  }
0x20: {  	[sflag:s8] =	ssyncset.s32 @!p0 $0xFFFFF086;
	s6 =	sadd.s32 @!p0 s3, s7;
	s7 =	simm.s32 @!p0 $0x108  }
0x21: {  	s3 =	sadd.s32 s3, s9;
	s6 =	sadd.s32 @!p0 $0x88, s6;
	s7 =	simm.s32 @p2 $0x1082  }
0x22: {  	[simem:s7], [sflag:s8] =	dma.local @!p0 [hbm:s6], $0xF7A  }
0x23: {  	s9 =	sor.u32 $0xD0000000, s2;
	s6 =	simm.s32 $0x108;
	_ =	swait.ge @!p0 [sflag:s8], $0x0  }
0x24: {  	s3 =	sadd.s32 $0x88, s3;
	s6 =	simm.s32 @!p1 $0x1082;
	[sflag:s4] =	ssyncset.s32 $0xFFFFF086  }
0x25: {  	[simem:s6], [sflag:s4] =	dma.local [hbm:s3], $0xF7A  }
0x26: {  	[smem:$0x3F9E] =	sst s1;
	(tag) =	ssettag s2;
	_ =	strace s9  }
0x27: {  	s1 =	sld [smem:$0x3FAE]  }
0x28: {  	s2 =	sld [smem:$0x3FAF]  }
0x29: {  	s4 =	sld [smem:$0x3FB1]  }
0x2a: {  	p0 =	seq.s32 s5, $0x0;
	s5 =	sld [smem:$0x3FB2]  }
0x2b: {  	s6 =	sld [smem:$0x3FB3]  }
0x2c: {  	s7 =	sld [smem:$0x3FB4]  }
0x2d: {  	s3 =	simm.s32 $0x108;
	s8 =	sld [smem:$0x3FB5]  }
0x2e: {  	s3 =	simm.s32 @!p0 $0x1082;
	s9 =	sld [smem:$0x3FB6]  }
0x2f: {  	lr =	sadd.s32 s0, s3;
	s0 =	sld [smem:$0x3FAD]  }
0x30: {  	s3 =	sld [smem:$0x3FB0]  }
0x31: {  	[smem:$0x3FB9] =	sst s10  }
0x32: {  	s10 =	sld [smem:$0x3FB7];
	_ =	sdelay $0x3  }
0x33: {  	p0 =	seq.s32 s10, $0x1;
	s10 =	sld [smem:$0x3FB9];
	_ =	sdelay $0x3  }
0x34: {  	[smem:$0x3FB9] =	sst s10  }
0x35: {  	s10 =	sld [smem:$0x3FB8];
	_ =	sdelay $0x3  }
0x36: {  	p1 =	seq.s32 s10, $0x1;
	s10 =	sld [smem:$0x3FB9];
	_ =	sdelay $0x3  }
0x37: {  	[smem:$0x3FB9] =	sst s10  }
0x38: {  	s10 =	sld [smem:$0x3FBA]  }
0x39: {  	_ = 	snop;
	(pc) =	sbr.ind lr, $3  }
0x3a: {  	_ = 	snop  }
0x3b: {  	_ = 	snop  }
0x3c: {  	p2 =	seq.s32 s10, $0x1;
	s10 =	sld [smem:$0x3FB9]  }
0x3d: {  	_ =	shalt  }
0x3e: {  	_ =	shalt  }
0x3f: {  	_ =	shalt  }
0x40: {  	_ =	shalt  }
0x41: {  	_ =	shalt  }
0x42: {  	_ =	shalt  }
0x43: {  	_ =	shalt  }
0x44: {  	_ =	shalt  }
0x45: {  	_ =	shalt  }
0x46: {  	_ =	shalt  }
0x47: {  	_ =	shalt  }
0x48: {  	_ =	shalt  }
0x49: {  	_ =	shalt  }
0x4a: {  	_ =	shalt  }
0x4b: {  	_ =	shalt  }
0x4c: {  	_ =	shalt  }
0x4d: {  	_ =	shalt  }
0x4e: {  	_ =	shalt  }
0x4f: {  	_ =	shalt  }
0x50: {  	_ =	shalt  }
0x51: {  	_ =	shalt  }
0x52: {  	_ =	shalt  }
0x53: {  	_ =	shalt  }
0x54: {  	_ =	shalt  }
0x55: {  	_ =	shalt  }
0x56: {  	_ =	shalt  }
0x57: {  	_ =	shalt  }
0x58: {  	_ =	shalt  }
0x59: {  	_ =	shalt  }
0x5a: {  	_ =	shalt  }
0x5b: {  	_ =	shalt  }
0x5c: {  	_ =	shalt  }
0x5d: {  	_ =	shalt  }
0x5e: {  	_ =	shalt  }
0x5f: {  	_ =	shalt  }
0x60: {  	_ =	shalt  }
0x61: {  	_ =	shalt  }
0x62: {  	_ =	shalt  }
0x63: {  	_ =	shalt  }
0x64: {  	_ =	shalt  }
0x65: {  	_ =	shalt  }
0x66: {  	_ =	shalt  }
0x67: {  	_ =	shalt  }
0x68: {  	_ =	shalt  }
0x69: {  	_ =	shalt  }
0x6a: {  	_ =	shalt  }
0x6b: {  	_ =	shalt  }
0x6c: {  	_ =	shalt  }
0x6d: {  	_ =	shalt  }
0x6e: {  	_ =	shalt  }
0x6f: {  	_ =	shalt  }
0x70: {  	_ =	shalt  }
0x71: {  	_ =	shalt  }
0x72: {  	_ =	shalt  }
0x73: {  	_ =	shalt  }
0x74: {  	_ =	shalt  }
0x75: {  	_ =	shalt  }
0x76: {  	_ =	shalt  }
0x77: {  	_ =	shalt  }
0x78: {  	_ =	shalt  }
0x79: {  	_ =	shalt  }
0x7a: {  	_ =	shalt  }
0x7b: {  	_ =	shalt  }
0x7c: {  	_ =	shalt  }
0x7d: {  	_ =	shalt  }
0x7e: {  	_ =	shalt  }
0x7f: {  	_ =	shalt  }
0x80: {  	_ =	shalt  }
0x81: {  	_ =	shalt  }
0x82: {  	_ =	shalt  }
0x83: {  	_ =	shalt  }
0x84: {  	_ =	shalt  }
0x85: {  	_ =	shalt  }
0x86: {  	_ =	shalt  }
0x87: {  	_ =	shalt  }
.Lfunc_end0:
.L_simem_size_0:
called_computation.1_lowered:
.L_overlay_start_0:
0x88: {  	s2 =	sld [smem:$0x3FD9]  }
0x89: {  	s3 =	sld [smem:$0x3FFE];
	_ =	sdelay $0x1  }
0x8a: {  	s1 =	srdreg.scid  }
0x8b: {  	s0 =	sand.u32 $0x1, s1  }
0x8c: {  	s16 =	sshll.u32 s0, $0xA;
	s2 =	sadd.s32 s3, s2  }
0x8d: {  	s2 =	sadd.s32 s2, s16  }
0x8e: {  	[smem:$0x3FC5] =	sst s2  }
0x8f: {  	_ = 	snop  }
0x90: {  	(tm) =	ssettm $0x1  }
0x91: {  	s17 =	sld [smem:$0x3FFB];
	_ =	sdelay $0x3  }
0x92: {  	_ =	strace s17  }
0x93: {  	s2 =	sld [smem:$0x3FFC];
	_ =	sdelay $0x3  }
0x94: {  	_ =	strace s2  }
0x95: {  	s2 =	sld [smem:$0x3FFD];
	_ =	sdelay $0x3  }
0x96: {  	_ =	strace s2  }
0x97: {  	_ =	strace $0x8FFFFFFF  }
0x98: {  	s18 =	sld [smem:$0x3FDB];
	_ =	sdelay $0x1  }
0x99: {  	s19 =	simm.s32 $_scs_section_size  }
0x9a: {  	s4 =	simm.s32 $_size__tile_overlayer_lowered;
	s5 =	simm.s32 $_tile_overlayer_lowered  }
0x9b: {  	s22 =	simm.s32 $0x1BFF;
	s21 =	sshll.u32 s5, $0x1;
	s2 =	sadd.s32 s19, s18  }
0x9c: {  	s6 =	simm.s32 $0x0;
	s20 =	sshll.u32 s4, $0x1;
	s4 =	sadd.s32 s21, s2  }
0x9d: {  	[timem:s6], [sflag:s22] =	dma.local [hbm:s4], s20  }
0x9e: {  	_ =	swait.ge [sflag:s22], s20  }
0x9f: {  	s3 =	ssub.s32 $0x0, s20;
	[sflag:s22] =	ssyncset.done $0x0  }
0xa0: {  	[sflag:s22] =	ssyncadd.s32 s3;
	_ =	sdelay $0x1  }
0xa1: {  	s23 =	simm.s32 $0x1B8B  }
0xa2: {  	_ =	swait.ge [sflag:s23], $0x1  }
0xa3: {  	[sflag:s23] =	ssyncset.done $0x0  }
0xa4: {  	s25 =	simm.s32 $0x1B8E;
	s24 =	sld [smem:$0x3FFE];
	[sflag:s23] =	ssyncadd.s32 $0xFFFFFFFF  }
0xa5: {  	s26 =	simm.s32 $execute0_lowered;
	[smem:$0x3FD2] =	sst s25  }
0xa6: {  	s4 =	sshll.u32 s26, $0x1;
	_ =	strace $0x80000046;
	[dreg:$0x1] =	wrdreg $0xFFFFFFFF  }
0xa7: {  	s28 =	simm.s32 $_size_execute0_lowered;
	s2 =	sadd.s32 s2, s4;
	[dreg:$0x0] =	wrdreg $0x0  }
0xa8: {  	s4 =	sshll.u32 s28, $0x1;
	[dreg:$0x2] =	wrdreg s2  }
0xa9: {  	[dreg:$0x3] =	wrdreg s4  }
0xaa: {  	[dreg:$0x4] =	wrdreg $0xC0  }
0xab: {  	_ =	task [dreg:s6], $0x5FFFF  }
0xac: {  	[dreg:$0x1] =	wrdreg $0xFFFFFFFF  }
0xad: {  	[dreg:$0x0] =	wrdreg $0x60  }
0xae: {  	[dreg:$0x2] =	wrdreg s24  }
0xaf: {  	[dreg:$0x3] =	wrdreg $0x9  }
0xb0: {  	_ =	task.clear_ibuf [dreg:s6], $0x4FFFF;
	_ =	strace $0x90000046  }
0xb1: {  	s29 =	simm.s32 $0x9;
	_ =	strace $0x80000048  }
0xb2: {  	_ =	swait.ge [sflag:s29], $0x1  }
0xb3: {  	[sflag:s29] =	ssyncadd.s32 $0xFFFFFFFF  }
0xb4: {  	_ =	strace $0x90000048  }
0xb5: {  	_ =	sfence  }
0xb6: {  	s30 =	sld [smem:$0x0];
	_ =	sdelay $0x2  }
0xb7: {  	s31 =	sshll.u32 s1, $0xD;
	s1 =	sshrl.u32 s1, $0x2  }
0xb8: {  	s3 =	sand.u32 $0x4000, s31;
	s1 =	sadd.s32 s1, s30  }
0xb9: {  	s0 =	sor.u32 s3, s0;
	s1 =	sshll.u32 s1, $0x11  }
0xba: {  	s0 =	sor.u32 s1, s0  }
0xbb: {  	s0 =	sadd.s32 $0x8F2B, s0  }
0xbc: {  	[sflag:s0] =	ssyncadd.remote.s32 $0x1  }
0xbd: {  	_ =	sfence.sel $0xFFFF  }
0xbe: {  	[dreg:$0x0] =	wrdreg $0xFFFFFFFF;
	(pc) =	sbr.abs _section_cstart, $3  }
0xbf: {  	[dreg:$0x1] =	wrdreg $0xFFFFFFFF  }
0xc0: {  	_ =	task.clear_ibuf [dreg:s6], $0x2FFFF;
	_ =	strace $0x9FFFFFFF  }
0xc1: {  	(tm) =	ssettm $0x7FFFFFFF  }
tec
execute0_lowered:
.L_overlay_start_1:
0x0: {  	(tag) =	ssettag $0x1  }
0x1: {  	s0 =	rddreg [dreg:$0x0]  }
0x2: {  	s2 =	simm.s32 $0x0;
	s1 =	srdreg.scid;
	s3 =	stileid.u32  }
0x3: {  	s11 =	simm.s32 $0x9;
	s13 =	simm.s32 $0x5;
	s14 =	simm.s32 $0x6  }
0x4: {  	s15 =	simm.s32 $0x7;
	s16 =	simm.s32 $0x8;
	s17 =	simm.s32 $0x0  }
0x5: {  	[smem:$0x7FF] =	sst s2;
	s1 =	sand.u32 $0x1, s1;
	s4 =	sshll.u32 s3, $0x1  }
.Ltmp0:
0x6: {  	s3 =	sadd.s32 $0x1600, s0;
	s5 =	sadd.s32 $0x800, s0;
	(pc) =	sbr.rel .LBB2_1-.Ltmp0, $4  }
0x7: {  	s6 =	sadd.s32 $0x1A1000, s0;
	s9 =	sor.u32 s1, s4;
	s1 =	ssub.s32 $0x2, s1  }
0x8: {  	_ =	strace $0x80000047;
	s8 =	smul.u32 $0xC80, s9;
	s31 =	sshrl.u32 s1, $0x1  }
0x9: {  	s4 =	sadd.s32 $0x1A600, s0;
	s7 =	smul.u32 $0x6400, s9;
	s0 =	ssub.s32 s1, s31  }
0xa: {  	s9 =	smul.u32 $0x19, s9;
	s8 =	sadd.s32 s3, s8;
	s10 =	smax.u32 s0, $0x1  }
.LBB2_11:
0xb: {  	_ =	swait.ge [sflag:s13], $0x4000  }
0xc: {  	[sflag:s13] =	ssyncset.done $0x0  }
0xd: {  	[sflag:s13] =	ssyncadd.s32 $0xFFFFC000  }
0xe: {  	_ =	swait.ge [sflag:s14], $0x4000  }
0xf: {  	[sflag:s14] =	ssyncset.done $0x0  }
0x10: {  	s17 =	sadd.s32 $0x1, s17;
	[sflag:s14] =	ssyncadd.s32 $0xFFFFC000  }
0x11: {  	p0 =	sne.s32 s17, s10;
	_ =	swait.ge [sflag:s15], $0x4000  }
.Ltmp1:
0x12: {  	[sflag:s15] =	ssyncset.done $0x0;
	(pc) =	sbr.rel @!p0 .LBB2_12-.Ltmp1, $4  }
0x13: {  	[sflag:s15] =	ssyncadd.s32 $0xFFFFC000  }
0x14: {  	_ =	swait.ge [sflag:s16], $0x4000  }
0x15: {  	[sflag:s16] =	ssyncset.done $0x0  }
0x16: {  	[sflag:s16] =	ssyncadd.s32 $0xFFFFC000  }
.LBB2_1:
0x17: {  	[tilespmem:s2], [sflag:$0x9] =	stream.linear.gather [hbm4b:s5+s2], $0x6400, $0x38;
	[tilespmem:$0x1EC00] =	vst v63  }
.Ltmp2:
0x18: {  	_ = 	snop;
	(pc) =	sbr.rel .LBB2_2-.Ltmp2, $4  }
0x19: {  	s0 =	simm.s32 $0x6400;
	_ =	swait.ge [sflag:s11], $0x6400  }
0x1a: {  	s18 =	simm.s32 $0xFF00;
	p0 =	por $0x0, $0x0;
	[sflag:s11] =	ssyncset.done $0x0  }
0x1b: {  	s19 =	simm.s32 $0x2;
	s20 =	simm.s32 $0x0;
	[sflag:s11] =	ssyncadd.s32 $0xFFFF9C00  }
0x1c: {  	[tilespmem:s0], [sflag:$0x1] =	stream.linear.gather [hbm4b:s8+s2], $0x400, $0x38;
	[tilespmem:$0x1EC00] =	vst v63  }
.LBB2_8:
0x1d: {  	v0 =	vadd.f32 v2, v0  }
0x1e: {  	[tilespmem:s21+$0xFFFFFFB0] =	vst v6;
	v1 =	vadd.f32 v4, v1  }
0x1f: {  	v63 =	vadd.f32 v5, v3;
	[tilespmem:s21+$0x30] =	vst v0  }
0x20: {  	[tilespmem:s21+$0xB0] =	vst v1  }
0x21: {  	[tilespmem:s21+$0x130] =	vst v63  }
.LBB2_9:
0x22: {  	s0 =	sadd.s32 s7, s23  }
0x23: {  	s0 =	sshll.u32 s0, $0x4  }
0x24: {  	s1 =	sadd.s32 $0x5, s24;
	s0 =	sadd.s32 s6, s0  }
0x25: {  	[hbm4b:s0+s2] =	stream.linear.scatter [tilespmem:s25], [sflag:s1], $0x4000, $0x38;
	[tilespmem:$0x1EC00] =	vst v63  }
.LBB2_10:
0x26: {  	s20 =	sadd.s32 $0x1, s20  }
0x27: {  	p1 =	sne.s32 s20, $0xCA  }
.Ltmp3:
0x28: {  	_ = 	snop;
	(pc) =	sbr.rel @!p1 .LBB2_11-.Ltmp3, $2  }
0x29: {  	_ =	sdelay $0x2  }
0x2a: {  	s18 =	sadd.s32 $0x80, s18;
	p0 =	por !p0, !p0;
	s19 =	sadd.s32 $0x1, s19  }
.LBB2_2:
0x2b: {  	s0 =	sand.u32 $0x7, s20  }
0x2c: {  	s31 =	sadd.s32 $0xFFFFFFFC, s20;
	p1 =	sne.s32 s0, $0x4  }
0x2d: {  	p3 =	sgt.u32 s31, $0xC3;
	p2 =	sgt.u32 @!p1 s20, $0xBF  }
0x2e: {  	s0 =	sand.u32 @!p3 $0x3, s20;
	p1 =	por p2, p1  }
0x2f: {  	s0 =	sadd.s32 @!p3 $0x5, s0;
	s1 =	sshrl.u32 @!p1 s20, $0x3  }
0x30: {  	p2 =	seq.s32 s20, $0x0;
	_ =	swait.ge @!p3 [sflag:s0], $0x4000;
	s1 =	sadd.s32 @!p1 $0x1, s1  }
0x31: {  	[sflag:s0] =	ssyncset.done @!p3 $0x0;
	s12 =	sadd.s32 @!p1 s9, s1;
	s1 =	sand.u32 @!p1 $0x1, s1  }
0x32: {  	[sflag:s0] =	ssyncadd.s32 @!p3 $0xFFFFC000;
	p3 =	seq.s32 @!p2 s20, $0xC9;
	s12 =	sshll.u32 @!p1 s12, $0x7  }
0x33: {  	s21 =	sshll.u32 @!p1 s1, $0xA;
	s1 =	sadd.s32 @!p1 $0x1, s1;
	s12 =	sand.u32 @!p1 $0x1FFFFF80, s12  }
0x34: {  	s0 =	sadd.s32 @!p1 $0x6400, s21;
	s21 =	simm.s32 @!p1 $0x0;
	s12 =	sadd.s32 @!p1 s3, s12  }
0x35: {  	[tilespmem:s0], [sflag:s1] =	stream.linear.gather @!p1 [hbm4b:s12+s21], $0x400, $0x38;
	[tilespmem:$0x1EC00] =	vst v63  }
0x36: {  	p1 =	por p3, p2  }
0x37: {  	s0 =	sadd.s32 @!p1 $0xFFFFFFFF, s20  }
0x38: {  	s1 =	sand.u32 @!p1 $0x7, s0  }
0x39: {  	p5 =	slt.u32 @!p1 s20, $0x2;
	p4 =	sne.s32 @!p1 s1, $0x0  }
0x3a: {  	p5 =	por @!p1 !p5, !p4  }
0x3b: {  	p5 =	por @!p1 !p5, !p5  }
0x3c: {  	p5 =	por @!p2 !p5, p3  }
0x3d: {  	s21 =	simm.s32 @!p1 $0x1;
	s12 =	sshrl.u32 @!p1 s0, $0x3;
	p5 =	por !p5, p2  }
0x3e: {  	s12 =	sand.u32 @!p1 $0x1F, s12;
	s21 =	simm.s32 @!p5 $0x0  }
0x3f: {  	s12 =	ssub.s32 @!p1 s12, s21  }
0x40: {  	s21 =	sand.u32 @!p1 $0x80, s12  }
0x41: {  	s21 =	sshrl.u32 @!p1 s21, $0x7  }
0x42: {  	s21 =	sadd.s32 @!p1 s21, s12  }
0x43: {  	s21 =	sand.u32 @!p1 $0xFE, s21  }
0x44: {  	s12 =	ssub.s32 @!p1 s12, s21  }
0x45: {  	s0 =	sand.u32 @!p1 $0x1, s0;
	p3 =	por @!p2 p4, p3;
	s12 =	sshll.u32 @!p1 s12, $0x18  }
0x46: {  	s22 =	sshll.u32 @!p1 s0, $0xE;
	p2 =	por p3, p2;
	s12 =	sshra.s32 @!p1 s12, $0x18  }
0x47: {  	s1 =	sshll.u32 @!p1 s1, $0x7;
	s21 =	sadd.s32 @!p2 $0x1, s12;
	s12 =	sshll.u32 @!p1 s12, $0xC  }
0x48: {  	s0 =	sadd.s32 @!p1 $0x3, s0;
	_ =	swait.ge @!p2 [sflag:s21], $0x400;
	s12 =	sshra.s32 @!p1 s12, $0x2  }
0x49: {  	[sflag:s21] =	ssyncset.done @!p2 $0x0;
	s1 =	sor.u32 @!p1 s1, s12;
	s12 =	simm.s32 @!p1 $0x80  }
0x4a: {  	[sflag:s21] =	ssyncadd.s32 @!p2 $0xFFFFFC00;
	s21 =	sadd.s32 @!p1 $0x6C00, s22;
	s1 =	sadd.s32 @!p1 $0x6400, s1  }
0x4b: {  	[tilespmem:s21], [sflag:s0] =	stream.indirect.gather @!p1 [hbm4b:s4+s12], $0x80, s1, s12, $0xb8;
	[tilespmem:$0x1EC00] =	vst v63  }
0x4c: {  	p1 =	slt.u32 s20, $0x2  }
.Ltmp4:
0x4d: {  	_ = 	snop;
	(pc) =	sbr.rel @p1 .LBB2_10-.Ltmp4, $1  }
0x4e: {  	_ =	sdelay $0x3  }
0x4f: {  	s0 =	sand.u32 $0xFFFF, s18  }
0x50: {  	s1 =	smulhi.u32 $0x147AE15, s0;
	_ =	sdelay $0x1  }
0x51: {  	s12 =	smul.u32 $0xC8, s1;
	_ =	sdelay $0x1  }
0x52: {  	s12 =	ssub.s32 s12, s0  }
0x53: {  	s12 =	sadd.s32 $0xC8, s12  }
0x54: {  	s22 =	simm.s32 $0x1;
	s24 =	sadd.s32 $0xFFFFFFFE, s20;
	s12 =	smin.u32 s12, $0x80  }
0x55: {  	s22 =	simm.s32 @!p0 $0x0;
	s1 =	smul.u32 $0x19000, s1;
	s21 =	sadd.s32 s0, s12  }
0x56: {  	s25 =	sshll.u32 s24, $0x4;
	s23 =	sshll.u32 s22, $0x10;
	s21 =	sshll.u32 s21, $0x9  }
0x57: {  	s28 =	sadd.s32 $0xFFFFFFF8, s12;
	s12 =	sshll.u32 s12, $0x9;
	s21 =	ssub.s32 s21, s1  }
0x58: {  	s25 =	sand.u32 $0x1FF0, s25;
	s22 =	sadd.s32 s12, s23;
	s21 =	sshra.s32 s21, $0x2  }
0x59: {  	s26 =	sadd.s32 $0xFFFF9C00, s21;
	s21 =	sshrl.u32 s22, $0x2;
	s22 =	sshll.u32 s19, $0x10  }
0x5a: {  	s25 =	smul.u32 $0x147B, s25;
	s0 =	sshll.u32 s0, $0x9;
	s29 =	sand.u32 $0x30000, s22  }
0x5b: {  	s0 =	ssub.s32 s0, s1;
	s12 =	sadd.s32 s12, s29  }
0x5c: {  	s0 =	sshra.s32 s0, $0x2;
	s1 =	sshrl.u32 s25, $0x11;
	s12 =	sshrl.u32 s12, $0x2  }
0x5d: {  	s25 =	sand.u32 $0x1, s20;
	s22 =	sadd.s32 $0x6E00, s21;
	s21 =	sadd.s32 $0xEE00, s12  }
0x5e: {  	s12 =	sadd.s32 $0x200, s0;
	s0 =	smul.u32 $0xC8, s1;
	s1 =	sadd.s32 $0x3, s25  }
0x5f: {  	_ =	swait.ge [sflag:s1], $0x4000  }
0x60: {  	[sflag:s1] =	ssyncset.done $0x0  }
0x61: {  	s23 =	sshrl.u32 s23, $0x2;
	[sflag:s1] =	ssyncadd.s32 $0xFFFFC000  }
0x62: {  	s30 =	sadd.s32 $0x6E00, s23;
	v0 =	vld [tilespmem:s12+$0x180]  }
0x63: {  	v1 =	vld [tilespmem:s30+$0x180]  }
0x64: {  	v2 =	vld [tilespmem:s30+$0xFFFFFE00]  }
0x65: {  	v3 =	vld [tilespmem:s12+$0xFFFFFE80]  }
0x66: {  	v4 =	vld [tilespmem:s30+$0xFFFFFE80]  }
0x67: {  	v5 =	vld [tilespmem:s12+$0xFFFFFF00]  }
0x68: {  	v6 =	vld [tilespmem:s30+$0xFFFFFF00]  }
0x69: {  	v7 =	vld [tilespmem:s30+$0xFFFFFF80]  }
0x6a: {  	v9 =	vld [tilespmem:s12+$0x0]  }
0x6b: {  	v10 =	vld [tilespmem:s30+$0x0]  }
0x6c: {  	v11 =	vld [tilespmem:s12+$0x80]  }
0x6d: {  	s25 =	sshrl.u32 s29, $0x2;
	v12 =	vld [tilespmem:s30+$0x80];
	v0 =	vadd.f32 v1, v0  }
0x6e: {  	s31 =	sadd.s32 $0xEE00, s25;
	v1 =	vld [tilespmem:s12+$0xFFFFFF80]  }
0x6f: {  	v3 =	vadd.f32 v4, v3;
	v4 =	vld [tilespmem:s12+$0xFFFFFE00];
	[tilespmem:s31+$0x180] =	vst v0  }
0x70: {  	v0 =	vld [tilespmem:s12+$0x190]  }
0x71: {  	v8 =	vld [tilespmem:s30+$0x190]  }
0x72: {  	v13 =	vld [tilespmem:s12+$0x100];
	[tilespmem:s31+$0xFFFFFE80] =	vst v3;
	v3 =	vadd.f32 v6, v5  }
0x73: {  	v6 =	vld [tilespmem:s12+$0xFFFFFE90]  }
0x74: {  	[tilespmem:s31+$0xFFFFFF00] =	vst v3;
	v3 =	vld [tilespmem:s30+$0xFFFFFE90];
	v1 =	vadd.f32 v7, v1  }
0x75: {  	v2 =	vadd.f32 v2, v4;
	v4 =	vld [tilespmem:s12+$0xFFFFFF10]  }
0x76: {  	[tilespmem:s31+$0xFFFFFF80] =	vst v1;
	v1 =	vld [tilespmem:s30+$0xFFFFFF10];
	v0 =	vadd.f32 v8, v0  }
0x77: {  	[tilespmem:s31+$0xFFFFFE00] =	vst v2;
	v2 =	vld [tilespmem:s12+$0xFFFFFF90]  }
0x78: {  	v54 =	vld [tilespmem:s30+$0xFFFFFF90];
	[tilespmem:s31+$0x190] =	vst v0  }
0x79: {  	v3 =	vadd.f32 v3, v6;
	v0 =	vld [tilespmem:s12+$0x1A0]  }
0x7a: {  	v5 =	vld [tilespmem:s30+$0x1A0]  }
0x7b: {  	v8 =	vld [tilespmem:s30+$0x100];
	[tilespmem:s31+$0xFFFFFE90] =	vst v3;
	v1 =	vadd.f32 v1, v4  }
0x7c: {  	v4 =	vld [tilespmem:s12+$0xFFFFFEA0]  }
0x7d: {  	[tilespmem:s31+$0xFFFFFF10] =	vst v1;
	v1 =	vadd.f32 v54, v2;
	v2 =	vld [tilespmem:s30+$0xFFFFFEA0]  }
0x7e: {  	v7 =	vld [tilespmem:s30+$0xFFFFFE10]  }
0x7f: {  	v57 =	vld [tilespmem:s12+$0xFFFFFF20];
	v0 =	vadd.f32 v5, v0  }
0x80: {  	v5 =	vld [tilespmem:s12+$0xFFFFFE10];
	[tilespmem:s31+$0xFFFFFF90] =	vst v1  }
0x81: {  	v58 =	vld [tilespmem:s12+$0xFFFFFFA0];
	[tilespmem:s31+$0x1A0] =	vst v0;
	v0 =	vadd.f32 v10, v9  }
0x82: {  	v52 =	vld [tilespmem:s12+$0x1B0];
	v2 =	vadd.f32 v2, v4  }
0x83: {  	v53 =	vld [tilespmem:s30+$0x1B0];
	[tilespmem:s31+$0x0] =	vst v0;
	v0 =	vadd.f32 v12, v11  }
0x84: {  	v55 =	vld [tilespmem:s12+$0x10];
	[tilespmem:s31+$0xFFFFFEA0] =	vst v2  }
0x85: {  	[tilespmem:s31+$0x80] =	vst v0;
	v0 =	vadd.f32 v8, v13;
	v8 =	vld [tilespmem:s30+$0x10]  }
0x86: {  	v60 =	vld [tilespmem:s12+$0xFFFFFEB0]  }
0x87: {  	v56 =	vld [tilespmem:s12+$0x90]  }
0x88: {  	[tilespmem:s31+$0x100] =	vst v0;
	v0 =	vadd.f32 v7, v5;
	v5 =	vld [tilespmem:s30+$0x90]  }
0x89: {  	v7 =	vld [tilespmem:s12+$0x110]  }
0x8a: {  	[tilespmem:s31+$0xFFFFFE10] =	vst v0;
	v0 =	vld [tilespmem:s30+$0x110]  }
0x8b: {  	v6 =	vld [tilespmem:s12+$0xFFFFFE20]  }
0x8c: {  	v3 =	vld [tilespmem:s30+$0xFFFFFE20];
	v1 =	vadd.f32 v8, v55  }
0x8d: {  	v8 =	vld [tilespmem:s30+$0xFFFFFF20]  }
0x8e: {  	[tilespmem:s31+$0x10] =	vst v1;
	v1 =	vadd.f32 v5, v56;
	v5 =	vld [tilespmem:s30+$0xFFFFFFA0]  }
0x8f: {  	v59 =	vld [tilespmem:s12+$0x20]  }
0x90: {  	[tilespmem:s31+$0x90] =	vst v1;
	v0 =	vadd.f32 v0, v7;
	v1 =	vld [tilespmem:s30+$0x20]  }
0x91: {  	v7 =	vld [tilespmem:s12+$0xA0]  }
0x92: {  	v3 =	vadd.f32 v3, v6;
	[tilespmem:s31+$0x110] =	vst v0;
	v0 =	vld [tilespmem:s30+$0xA0]  }
0x93: {  	v2 =	vadd.f32 v8, v57;
	v6 =	vld [tilespmem:s12+$0x120]  }
0x94: {  	[tilespmem:s31+$0xFFFFFE20] =	vst v3;
	v3 =	vld [tilespmem:s30+$0x120]  }
0x95: {  	[tilespmem:s31+$0xFFFFFF20] =	vst v2;
	v2 =	vadd.f32 v5, v58;
	v5 =	vld [tilespmem:s30+$0xFFFFFEB0]  }
0x96: {  	v4 =	vld [tilespmem:s12+$0xFFFFFE30]  }
0x97: {  	s23 =	sshll.u32 s24, $0x7;
	v8 =	vld [tilespmem:s30+$0xFFFFFE30]  }
0x98: {  	s29 =	ssub.s32 s23, s0;
	v61 =	vld [tilespmem:s12+$0xFFFFFF30]  }
0x99: {  	s0 =	sand.u32 $0xFFF8, s29;
	v62 =	vld [tilespmem:s30+$0xFFFFFF30];
	[tilespmem:s31+$0xFFFFFFA0] =	vst v2;
	v1 =	vadd.f32 v1, v59  }
0x9a: {  	s0 =	ssub.s32 $0xC8, s0;
	v2 =	vadd.f32 v53, v52;
	v63 =	vld [tilespmem:s12+$0xFFFFFFB0]  }
0x9b: {  	s0 =	smin.u32 s0, $0x80;
	[tilespmem:s31+$0x20] =	vst v1;
	v1 =	vadd.f32 v0, v7;
	v7 =	vld [tilespmem:s30+$0xFFFFFFB0]  }
0x9c: {  	p1 =	sgt.u32 s0, $0x8;
	[tilespmem:s31+$0x1B0] =	vst v2;
	v3 =	vadd.f32 v3, v6;
	v0 =	vld [tilespmem:s12+$0x30]  }
.Ltmp5:
0x9d: {  	v2 =	vld [tilespmem:s30+$0x30];
	[tilespmem:s31+$0xA0] =	vst v1;
	v4 =	vadd.f32 v8, v4;
	(pc) =	sbr.rel @!p1 .LBB2_5-.Ltmp5, $4  }
0x9e: {  	[tilespmem:s31+$0x120] =	vst v3;
	v3 =	vadd.f32 v5, v60;
	v1 =	vld [tilespmem:s12+$0xB0]  }
0x9f: {  	s24 =	sand.u32 $0x3, s24;
	v5 =	vadd.f32 v62, v61;
	[tilespmem:s31+$0xFFFFFE30] =	vst v4;
	v4 =	vld [tilespmem:s30+$0xB0]  }
0xa0: {  	s1 =	sshll.u32 s24, $0xE;
	[tilespmem:s31+$0xFFFFFEB0] =	vst v3;
	v3 =	vld [tilespmem:s12+$0x130];
	v6 =	vadd.f32 v7, v63  }
0xa1: {  	s25 =	sadd.s32 $0xEC00, s1;
	s1 =	simm.s32 $0x8;
	[tilespmem:s31+$0xFFFFFF30] =	vst v5;
	v5 =	vld [tilespmem:s30+$0x130];
	s12 =	sadd.s32 $0x400, s12  }
.LBB2_4:
0xa2: {  	v7 =	vld [tilespmem:s12+$0x180];
	[tilespmem:s31+$0xFFFFFFB0] =	vst v6;
	v0 =	vadd.f32 v2, v0;
	s30 =	sadd.s32 $0x400, s30  }
0xa3: {  	v2 =	vld [tilespmem:s30+$0x180]  }
0xa4: {  	v6 =	vld [tilespmem:s30+$0xFFFFFE00];
	[tilespmem:s31+$0x30] =	vst v0;
	v0 =	vadd.f32 v4, v1  }
0xa5: {  	v1 =	vld [tilespmem:s12+$0xFFFFFE80]  }
0xa6: {  	s1 =	sadd.s32 $0x8, s1;
	v4 =	vld [tilespmem:s30+$0xFFFFFE80];
	[tilespmem:s31+$0xB0] =	vst v0;
	v0 =	vadd.f32 v5, v3  }
0xa7: {  	p1 =	slt.u32 s1, s0;
	v3 =	vld [tilespmem:s12+$0xFFFFFF00]  }
0xa8: {  	v5 =	vld [tilespmem:s30+$0xFFFFFF00];
	v2 =	vadd.f32 v2, v7;
	[tilespmem:s31+$0x130] =	vst v0  }
0xa9: {  	s31 =	sadd.s32 $0x400, s31;
	v0 =	vld [tilespmem:s12+$0xFFFFFF80]  }
0xaa: {  	v7 =	vld [tilespmem:s30+$0xFFFFFF80];
	[tilespmem:s31+$0x180] =	vst v2  }
0xab: {  	v1 =	vadd.f32 v4, v1;
	v2 =	vld [tilespmem:s12+$0x190]  }
0xac: {  	v4 =	vld [tilespmem:s30+$0x190]  }
0xad: {  	[tilespmem:s31+$0xFFFFFE80] =	vst v1;
	v1 =	vadd.f32 v5, v3;
	v3 =	vld [tilespmem:s12+$0x0]  }
0xae: {  	v5 =	vld [tilespmem:s30+$0x0]  }
0xaf: {  	[tilespmem:s31+$0xFFFFFF00] =	vst v1;
	v0 =	vadd.f32 v7, v0;
	v1 =	vld [tilespmem:s12+$0x80]  }
0xb0: {  	v7 =	vld [tilespmem:s30+$0x80]  }
0xb1: {  	[tilespmem:s31+$0xFFFFFF80] =	vst v0;
	v0 =	vld [tilespmem:s12+$0x100];
	v2 =	vadd.f32 v4, v2  }
0xb2: {  	v4 =	vld [tilespmem:s30+$0x100]  }
0xb3: {  	v8 =	vld [tilespmem:s12+$0xFFFFFE00];
	v3 =	vadd.f32 v5, v3;
	[tilespmem:s31+$0x190] =	vst v2  }
0xb4: {  	v2 =	vld [tilespmem:s12+$0x1A0]  }
0xb5: {  	[tilespmem:s31+$0x0] =	vst v3;
	v1 =	vadd.f32 v7, v1;
	v3 =	vld [tilespmem:s30+$0x1A0]  }
0xb6: {  	v5 =	vld [tilespmem:s12+$0xFFFFFE90]  }
0xb7: {  	v7 =	vld [tilespmem:s30+$0xFFFFFE90];
	[tilespmem:s31+$0x80] =	vst v1;
	v0 =	vadd.f32 v4, v0  }
0xb8: {  	v1 =	vadd.f32 v6, v8;
	v4 =	vld [tilespmem:s12+$0xFFFFFF10]  }
0xb9: {  	v6 =	vld [tilespmem:s30+$0xFFFFFF10];
	[tilespmem:s31+$0x100] =	vst v0  }
0xba: {  	[tilespmem:s31+$0xFFFFFE00] =	vst v1;
	v0 =	vld [tilespmem:s12+$0xFFFFFF90];
	v1 =	vadd.f32 v3, v2  }
0xbb: {  	v2 =	vld [tilespmem:s12+$0xFFFFFE10]  }
0xbc: {  	v3 =	vld [tilespmem:s30+$0xFFFFFE10];
	v5 =	vadd.f32 v7, v5;
	[tilespmem:s31+$0x1A0] =	vst v1  }
0xbd: {  	v1 =	vld [tilespmem:s12+$0x1B0]  }
0xbe: {  	[tilespmem:s31+$0xFFFFFE90] =	vst v5;
	v4 =	vadd.f32 v6, v4;
	v5 =	vld [tilespmem:s30+$0x1B0]  }
0xbf: {  	v6 =	vld [tilespmem:s30+$0xFFFFFF90]  }
0xc0: {  	[tilespmem:s31+$0xFFFFFF10] =	vst v4;
	v4 =	vld [tilespmem:s12+$0x10]  }
0xc1: {  	v2 =	vadd.f32 v3, v2;
	v3 =	vld [tilespmem:s30+$0x10]  }
0xc2: {  	v7 =	vld [tilespmem:s12+$0x90]  }
0xc3: {  	[tilespmem:s31+$0xFFFFFE10] =	vst v2;
	v2 =	vld [tilespmem:s30+$0x90];
	v1 =	vadd.f32 v5, v1  }
0xc4: {  	v0 =	vadd.f32 v6, v0;
	v5 =	vld [tilespmem:s12+$0x110]  }
0xc5: {  	v6 =	vld [tilespmem:s30+$0x110];
	[tilespmem:s31+$0x1B0] =	vst v1  }
0xc6: {  	v1 =	vld [tilespmem:s12+$0xFFFFFE20];
	[tilespmem:s31+$0xFFFFFF90] =	vst v0;
	v0 =	vadd.f32 v3, v4  }
0xc7: {  	v3 =	vld [tilespmem:s30+$0xFFFFFE20]  }
0xc8: {  	v4 =	vld [tilespmem:s12+$0xFFFFFEA0];
	[tilespmem:s31+$0x10] =	vst v0;
	v0 =	vadd.f32 v2, v7  }
0xc9: {  	v2 =	vld [tilespmem:s30+$0xFFFFFEA0]  }
0xca: {  	v7 =	vld [tilespmem:s12+$0xFFFFFF20];
	[tilespmem:s31+$0x90] =	vst v0;
	v0 =	vadd.f32 v6, v5  }
0xcb: {  	v5 =	vld [tilespmem:s30+$0xFFFFFF20]  }
0xcc: {  	v1 =	vadd.f32 v3, v1;
	v3 =	vld [tilespmem:s12+$0xFFFFFFA0];
	[tilespmem:s31+$0x110] =	vst v0  }
0xcd: {  	v0 =	vld [tilespmem:s30+$0xFFFFFFA0]  }
0xce: {  	[tilespmem:s31+$0xFFFFFE20] =	vst v1;
	v1 =	vadd.f32 v2, v4;
	v2 =	vld [tilespmem:s12+$0x20]  }
0xcf: {  	v4 =	vld [tilespmem:s30+$0x20]  }
0xd0: {  	[tilespmem:s31+$0xFFFFFEA0] =	vst v1;
	v1 =	vadd.f32 v5, v7;
	v5 =	vld [tilespmem:s12+$0xA0]  }
0xd1: {  	v6 =	vld [tilespmem:s30+$0xA0]  }
0xd2: {  	[tilespmem:s31+$0xFFFFFF20] =	vst v1;
	v0 =	vadd.f32 v0, v3;
	v1 =	vld [tilespmem:s12+$0x120]  }
0xd3: {  	v3 =	vld [tilespmem:s30+$0x120]  }
0xd4: {  	v7 =	vld [tilespmem:s12+$0xFFFFFE30];
	[tilespmem:s31+$0xFFFFFFA0] =	vst v0;
	v0 =	vadd.f32 v4, v2  }
0xd5: {  	v2 =	vld [tilespmem:s30+$0xFFFFFE30]  }
0xd6: {  	v4 =	vld [tilespmem:s12+$0xFFFFFEB0];
	[tilespmem:s31+$0x20] =	vst v0;
	v0 =	vadd.f32 v6, v5  }
0xd7: {  	v5 =	vld [tilespmem:s30+$0xFFFFFEB0]  }
0xd8: {  	v6 =	vld [tilespmem:s12+$0xFFFFFF30];
	[tilespmem:s31+$0xA0] =	vst v0;
	v0 =	vadd.f32 v3, v1  }
0xd9: {  	v1 =	vld [tilespmem:s30+$0xFFFFFF30]  }
0xda: {  	v2 =	vadd.f32 v2, v7;
	v3 =	vld [tilespmem:s12+$0xFFFFFFB0];
	[tilespmem:s31+$0x120] =	vst v0  }
0xdb: {  	v7 =	vld [tilespmem:s30+$0xFFFFFFB0]  }
0xdc: {  	[tilespmem:s31+$0xFFFFFE30] =	vst v2;
	v4 =	vadd.f32 v5, v4;
	v0 =	vld [tilespmem:s12+$0x30]  }
.Ltmp6:
0xdd: {  	v2 =	vld [tilespmem:s30+$0x30];
	(pc) =	sbr.rel @p1 .LBB2_4-.Ltmp6, $4  }
0xde: {  	[tilespmem:s31+$0xFFFFFEB0] =	vst v4;
	v5 =	vadd.f32 v1, v6;
	v1 =	vld [tilespmem:s12+$0xB0]  }
0xdf: {  	v4 =	vld [tilespmem:s30+$0xB0]  }
0xe0: {  	[tilespmem:s31+$0xFFFFFF30] =	vst v5;
	v6 =	vadd.f32 v7, v3;
	v3 =	vld [tilespmem:s12+$0x130]  }
0xe1: {  	s12 =	sadd.s32 $0x400, s12;
	v5 =	vld [tilespmem:s30+$0x130]  }
.LBB2_5:
0xe2: {  	s0 =	sand.u32 $0xFFFF, s29  }
0xe3: {  	p1 =	sgt.u32 s0, $0x48  }
.Ltmp7:
0xe4: {  	v0 =	vadd.f32 v2, v0;
	(pc) =	sbr.rel @!p1 .LBB2_9-.Ltmp7, $4  }
0xe5: {  	[tilespmem:s31+$0xFFFFFFB0] =	vst v6;
	v1 =	vadd.f32 v4, v1  }
0xe6: {  	[tilespmem:s31+$0x30] =	vst v0;
	v63 =	vadd.f32 v5, v3  }
0xe7: {  	[tilespmem:s31+$0xB0] =	vst v1  }
0xe8: {  	[tilespmem:s31+$0x130] =	vst v63  }
0xe9: {  	v0 =	vld [tilespmem:s26+$0x380]  }
0xea: {  	v1 =	vld [tilespmem:s22+$0x180]  }
0xeb: {  	v2 =	vld [tilespmem:s22+$0xFFFFFE00]  }
0xec: {  	v3 =	vld [tilespmem:s26+$0x80]  }
0xed: {  	v4 =	vld [tilespmem:s22+$0xFFFFFE80]  }
0xee: {  	v5 =	vld [tilespmem:s26+$0x100]  }
0xef: {  	v6 =	vld [tilespmem:s22+$0xFFFFFF00]  }
0xf0: {  	v7 =	vld [tilespmem:s22+$0xFFFFFF80]  }
0xf1: {  	v9 =	vld [tilespmem:s26+$0x200]  }
0xf2: {  	v10 =	vld [tilespmem:s22+$0x0]  }
0xf3: {  	v11 =	vld [tilespmem:s26+$0x280]  }
0xf4: {  	v12 =	vld [tilespmem:s22+$0x80];
	v0 =	vadd.f32 v1, v0  }
0xf5: {  	v1 =	vld [tilespmem:s26+$0x180]  }
0xf6: {  	v3 =	vadd.f32 v4, v3;
	v4 =	vld [tilespmem:s26+$0x0];
	[tilespmem:s21+$0x180] =	vst v0  }
0xf7: {  	v0 =	vld [tilespmem:s26+$0x390]  }
0xf8: {  	v8 =	vld [tilespmem:s22+$0x190]  }
0xf9: {  	v13 =	vld [tilespmem:s26+$0x300];
	[tilespmem:s21+$0xFFFFFE80] =	vst v3;
	v3 =	vadd.f32 v6, v5  }
0xfa: {  	v6 =	vld [tilespmem:s26+$0x90]  }
0xfb: {  	[tilespmem:s21+$0xFFFFFF00] =	vst v3;
	v3 =	vld [tilespmem:s22+$0xFFFFFE90];
	v1 =	vadd.f32 v7, v1  }
0xfc: {  	v2 =	vadd.f32 v2, v4;
	v4 =	vld [tilespmem:s26+$0x110]  }
0xfd: {  	[tilespmem:s21+$0xFFFFFF80] =	vst v1;
	v1 =	vld [tilespmem:s22+$0xFFFFFF10];
	v0 =	vadd.f32 v8, v0  }
0xfe: {  	[tilespmem:s21+$0xFFFFFE00] =	vst v2;
	v2 =	vld [tilespmem:s26+$0x190]  }
0xff: {  	v54 =	vld [tilespmem:s22+$0xFFFFFF90];
	[tilespmem:s21+$0x190] =	vst v0  }
0x100: {  	v3 =	vadd.f32 v3, v6;
	v0 =	vld [tilespmem:s26+$0x3A0]  }
0x101: {  	v5 =	vld [tilespmem:s22+$0x1A0]  }
0x102: {  	v8 =	vld [tilespmem:s22+$0x100];
	[tilespmem:s21+$0xFFFFFE90] =	vst v3;
	v1 =	vadd.f32 v1, v4  }
0x103: {  	v4 =	vld [tilespmem:s26+$0xA0]  }
0x104: {  	[tilespmem:s21+$0xFFFFFF10] =	vst v1;
	v1 =	vadd.f32 v54, v2;
	v2 =	vld [tilespmem:s22+$0xFFFFFEA0]  }
0x105: {  	v7 =	vld [tilespmem:s22+$0xFFFFFE10]  }
0x106: {  	v57 =	vld [tilespmem:s26+$0x120];
	v0 =	vadd.f32 v5, v0  }
0x107: {  	v5 =	vld [tilespmem:s26+$0x10];
	[tilespmem:s21+$0xFFFFFF90] =	vst v1  }
0x108: {  	v58 =	vld [tilespmem:s26+$0x1A0];
	[tilespmem:s21+$0x1A0] =	vst v0;
	v0 =	vadd.f32 v10, v9  }
0x109: {  	v52 =	vld [tilespmem:s26+$0x3B0];
	v2 =	vadd.f32 v2, v4  }
0x10a: {  	v53 =	vld [tilespmem:s22+$0x1B0];
	[tilespmem:s21+$0x0] =	vst v0;
	v0 =	vadd.f32 v12, v11  }
0x10b: {  	v55 =	vld [tilespmem:s26+$0x210];
	[tilespmem:s21+$0xFFFFFEA0] =	vst v2  }
0x10c: {  	[tilespmem:s21+$0x80] =	vst v0;
	v0 =	vadd.f32 v8, v13;
	v8 =	vld [tilespmem:s22+$0x10]  }
0x10d: {  	v60 =	vld [tilespmem:s26+$0xB0]  }
0x10e: {  	v56 =	vld [tilespmem:s26+$0x290]  }
0x10f: {  	[tilespmem:s21+$0x100] =	vst v0;
	v0 =	vadd.f32 v7, v5;
	v5 =	vld [tilespmem:s22+$0x90]  }
0x110: {  	v7 =	vld [tilespmem:s26+$0x310]  }
0x111: {  	[tilespmem:s21+$0xFFFFFE10] =	vst v0;
	v0 =	vld [tilespmem:s22+$0x110]  }
0x112: {  	v6 =	vld [tilespmem:s26+$0x20]  }
0x113: {  	v3 =	vld [tilespmem:s22+$0xFFFFFE20];
	v1 =	vadd.f32 v8, v55  }
0x114: {  	v8 =	vld [tilespmem:s22+$0xFFFFFF20]  }
0x115: {  	[tilespmem:s21+$0x10] =	vst v1;
	v1 =	vadd.f32 v5, v56;
	v5 =	vld [tilespmem:s22+$0xFFFFFFA0]  }
0x116: {  	v59 =	vld [tilespmem:s26+$0x220]  }
0x117: {  	[tilespmem:s21+$0x90] =	vst v1;
	v0 =	vadd.f32 v0, v7;
	v1 =	vld [tilespmem:s22+$0x20]  }
0x118: {  	v7 =	vld [tilespmem:s26+$0x2A0]  }
0x119: {  	v3 =	vadd.f32 v3, v6;
	[tilespmem:s21+$0x110] =	vst v0;
	v0 =	vld [tilespmem:s22+$0xA0]  }
0x11a: {  	v2 =	vadd.f32 v8, v57;
	v6 =	vld [tilespmem:s26+$0x320]  }
0x11b: {  	[tilespmem:s21+$0xFFFFFE20] =	vst v3;
	v3 =	vld [tilespmem:s22+$0x120]  }
0x11c: {  	[tilespmem:s21+$0xFFFFFF20] =	vst v2;
	v2 =	vadd.f32 v5, v58;
	v5 =	vld [tilespmem:s22+$0xFFFFFEB0]  }
0x11d: {  	v4 =	vld [tilespmem:s26+$0x30]  }
0x11e: {  	v8 =	vld [tilespmem:s22+$0xFFFFFE30]  }
0x11f: {  	v61 =	vld [tilespmem:s26+$0x130]  }
0x120: {  	v62 =	vld [tilespmem:s22+$0xFFFFFF30];
	[tilespmem:s21+$0xFFFFFFA0] =	vst v2;
	v1 =	vadd.f32 v1, v59  }
0x121: {  	v2 =	vadd.f32 v53, v52;
	v63 =	vld [tilespmem:s26+$0x1B0]  }
0x122: {  	[tilespmem:s21+$0x20] =	vst v1;
	v1 =	vadd.f32 v0, v7;
	v7 =	vld [tilespmem:s22+$0xFFFFFFB0]  }
0x123: {  	[tilespmem:s21+$0x1B0] =	vst v2;
	v3 =	vadd.f32 v3, v6;
	v0 =	vld [tilespmem:s26+$0x230]  }
0x124: {  	s0 =	sadd.s32 $0x8, s28;
	v2 =	vld [tilespmem:s22+$0x30];
	[tilespmem:s21+$0xA0] =	vst v1;
	v4 =	vadd.f32 v8, v4  }
0x125: {  	p1 =	slt.u32 s0, $0x78;
	[tilespmem:s21+$0x120] =	vst v3;
	v3 =	vadd.f32 v5, v60;
	v1 =	vld [tilespmem:s26+$0x2B0]  }
.Ltmp8:
0x126: {  	v5 =	vadd.f32 v62, v61;
	[tilespmem:s21+$0xFFFFFE30] =	vst v4;
	v4 =	vld [tilespmem:s22+$0xB0];
	(pc) =	sbr.rel @!p1 .LBB2_8-.Ltmp8, $4  }
0x127: {  	[tilespmem:s21+$0xFFFFFEB0] =	vst v3;
	v3 =	vld [tilespmem:s26+$0x330]  }
0x128: {  	[tilespmem:s21+$0xFFFFFF30] =	vst v5;
	v5 =	vld [tilespmem:s22+$0x130]  }
0x129: {  	v6 =	vadd.f32 v7, v63  }
0x12a: {  	s1 =	sadd.s32 $0x400, s26  }
.LBB2_7:
0x12b: {  	v7 =	vld [tilespmem:s1+$0x380];
	[tilespmem:s21+$0xFFFFFFB0] =	vst v6;
	v0 =	vadd.f32 v2, v0;
	s22 =	sadd.s32 $0x400, s22  }
0x12c: {  	v2 =	vld [tilespmem:s22+$0x180]  }
0x12d: {  	v6 =	vld [tilespmem:s22+$0xFFFFFE00];
	[tilespmem:s21+$0x30] =	vst v0;
	v0 =	vadd.f32 v4, v1  }
0x12e: {  	v1 =	vld [tilespmem:s1+$0x80]  }
0x12f: {  	s0 =	sadd.s32 $0x8, s0;
	v4 =	vld [tilespmem:s22+$0xFFFFFE80];
	[tilespmem:s21+$0xB0] =	vst v0;
	v0 =	vadd.f32 v5, v3  }
0x130: {  	p1 =	slt.u32 s0, $0x78;
	v3 =	vld [tilespmem:s1+$0x100]  }
0x131: {  	v5 =	vld [tilespmem:s22+$0xFFFFFF00];
	v2 =	vadd.f32 v2, v7;
	[tilespmem:s21+$0x130] =	vst v0  }
0x132: {  	s21 =	sadd.s32 $0x400, s21;
	v0 =	vld [tilespmem:s1+$0x180]  }
0x133: {  	v7 =	vld [tilespmem:s22+$0xFFFFFF80];
	[tilespmem:s21+$0x180] =	vst v2  }
0x134: {  	v1 =	vadd.f32 v4, v1;
	v2 =	vld [tilespmem:s1+$0x390]  }
0x135: {  	v4 =	vld [tilespmem:s22+$0x190]  }
0x136: {  	[tilespmem:s21+$0xFFFFFE80] =	vst v1;
	v1 =	vadd.f32 v5, v3;
	v3 =	vld [tilespmem:s1+$0x200]  }
0x137: {  	v5 =	vld [tilespmem:s22+$0x0]  }
0x138: {  	[tilespmem:s21+$0xFFFFFF00] =	vst v1;
	v0 =	vadd.f32 v7, v0;
	v1 =	vld [tilespmem:s1+$0x280]  }
0x139: {  	v7 =	vld [tilespmem:s22+$0x80]  }
0x13a: {  	[tilespmem:s21+$0xFFFFFF80] =	vst v0;
	v0 =	vld [tilespmem:s1+$0x300];
	v2 =	vadd.f32 v4, v2  }
0x13b: {  	v4 =	vld [tilespmem:s22+$0x100]  }
0x13c: {  	v8 =	vld [tilespmem:s1+$0x0];
	v3 =	vadd.f32 v5, v3;
	[tilespmem:s21+$0x190] =	vst v2  }
0x13d: {  	v2 =	vld [tilespmem:s1+$0x3A0]  }
0x13e: {  	[tilespmem:s21+$0x0] =	vst v3;
	v1 =	vadd.f32 v7, v1;
	v3 =	vld [tilespmem:s22+$0x1A0]  }
0x13f: {  	v5 =	vld [tilespmem:s1+$0x90]  }
0x140: {  	v7 =	vld [tilespmem:s22+$0xFFFFFE90];
	[tilespmem:s21+$0x80] =	vst v1;
	v0 =	vadd.f32 v4, v0  }
0x141: {  	v1 =	vadd.f32 v6, v8;
	v4 =	vld [tilespmem:s1+$0x110]  }
0x142: {  	v6 =	vld [tilespmem:s22+$0xFFFFFF10];
	[tilespmem:s21+$0x100] =	vst v0  }
0x143: {  	[tilespmem:s21+$0xFFFFFE00] =	vst v1;
	v0 =	vld [tilespmem:s1+$0x190];
	v1 =	vadd.f32 v3, v2  }
0x144: {  	v2 =	vld [tilespmem:s1+$0x10]  }
0x145: {  	v3 =	vld [tilespmem:s22+$0xFFFFFE10];
	v5 =	vadd.f32 v7, v5;
	[tilespmem:s21+$0x1A0] =	vst v1  }
0x146: {  	v1 =	vld [tilespmem:s1+$0x3B0]  }
0x147: {  	[tilespmem:s21+$0xFFFFFE90] =	vst v5;
	v4 =	vadd.f32 v6, v4;
	v5 =	vld [tilespmem:s22+$0x1B0]  }
0x148: {  	v6 =	vld [tilespmem:s22+$0xFFFFFF90]  }
0x149: {  	[tilespmem:s21+$0xFFFFFF10] =	vst v4;
	v4 =	vld [tilespmem:s1+$0x210]  }
0x14a: {  	v2 =	vadd.f32 v3, v2;
	v3 =	vld [tilespmem:s22+$0x10]  }
0x14b: {  	v7 =	vld [tilespmem:s1+$0x290]  }
0x14c: {  	[tilespmem:s21+$0xFFFFFE10] =	vst v2;
	v2 =	vld [tilespmem:s22+$0x90];
	v1 =	vadd.f32 v5, v1  }
0x14d: {  	v0 =	vadd.f32 v6, v0;
	v5 =	vld [tilespmem:s1+$0x310]  }
0x14e: {  	v6 =	vld [tilespmem:s22+$0x110];
	[tilespmem:s21+$0x1B0] =	vst v1  }
0x14f: {  	v1 =	vld [tilespmem:s1+$0x20];
	[tilespmem:s21+$0xFFFFFF90] =	vst v0;
	v0 =	vadd.f32 v3, v4  }
0x150: {  	v3 =	vld [tilespmem:s22+$0xFFFFFE20]  }
0x151: {  	v4 =	vld [tilespmem:s1+$0xA0];
	[tilespmem:s21+$0x10] =	vst v0;
	v0 =	vadd.f32 v2, v7  }
0x152: {  	v2 =	vld [tilespmem:s22+$0xFFFFFEA0]  }
0x153: {  	v7 =	vld [tilespmem:s1+$0x120];
	[tilespmem:s21+$0x90] =	vst v0;
	v0 =	vadd.f32 v6, v5  }
0x154: {  	v5 =	vld [tilespmem:s22+$0xFFFFFF20]  }
0x155: {  	v1 =	vadd.f32 v3, v1;
	v3 =	vld [tilespmem:s1+$0x1A0];
	[tilespmem:s21+$0x110] =	vst v0  }
0x156: {  	v0 =	vld [tilespmem:s22+$0xFFFFFFA0]  }
0x157: {  	[tilespmem:s21+$0xFFFFFE20] =	vst v1;
	v1 =	vadd.f32 v2, v4;
	v2 =	vld [tilespmem:s1+$0x220]  }
0x158: {  	v4 =	vld [tilespmem:s22+$0x20]  }
0x159: {  	[tilespmem:s21+$0xFFFFFEA0] =	vst v1;
	v1 =	vadd.f32 v5, v7;
	v5 =	vld [tilespmem:s1+$0x2A0]  }
0x15a: {  	v6 =	vld [tilespmem:s22+$0xA0]  }
0x15b: {  	[tilespmem:s21+$0xFFFFFF20] =	vst v1;
	v0 =	vadd.f32 v0, v3;
	v1 =	vld [tilespmem:s1+$0x320]  }
0x15c: {  	v3 =	vld [tilespmem:s22+$0x120]  }
0x15d: {  	v7 =	vld [tilespmem:s1+$0x30];
	[tilespmem:s21+$0xFFFFFFA0] =	vst v0;
	v0 =	vadd.f32 v4, v2  }
0x15e: {  	v2 =	vld [tilespmem:s22+$0xFFFFFE30]  }
0x15f: {  	v4 =	vld [tilespmem:s1+$0xB0];
	[tilespmem:s21+$0x20] =	vst v0;
	v0 =	vadd.f32 v6, v5  }
0x160: {  	v5 =	vld [tilespmem:s22+$0xFFFFFEB0]  }
0x161: {  	v6 =	vld [tilespmem:s1+$0x130];
	[tilespmem:s21+$0xA0] =	vst v0;
	v0 =	vadd.f32 v3, v1  }
0x162: {  	v1 =	vld [tilespmem:s22+$0xFFFFFF30]  }
0x163: {  	v2 =	vadd.f32 v2, v7;
	v3 =	vld [tilespmem:s1+$0x1B0];
	[tilespmem:s21+$0x120] =	vst v0  }
0x164: {  	v7 =	vld [tilespmem:s22+$0xFFFFFFB0]  }
0x165: {  	[tilespmem:s21+$0xFFFFFE30] =	vst v2;
	v4 =	vadd.f32 v5, v4;
	v0 =	vld [tilespmem:s1+$0x230]  }
.Ltmp9:
0x166: {  	v2 =	vld [tilespmem:s22+$0x30];
	(pc) =	sbr.rel @p1 .LBB2_7-.Ltmp9, $4  }
0x167: {  	[tilespmem:s21+$0xFFFFFEB0] =	vst v4;
	v5 =	vadd.f32 v1, v6;
	v1 =	vld [tilespmem:s1+$0x2B0]  }
0x168: {  	v4 =	vld [tilespmem:s22+$0xB0]  }
0x169: {  	[tilespmem:s21+$0xFFFFFF30] =	vst v5;
	v6 =	vadd.f32 v7, v3;
	v3 =	vld [tilespmem:s1+$0x330]  }
0x16a: {  	s1 =	sadd.s32 $0x400, s1;
	v5 =	vld [tilespmem:s22+$0x130]  }
.Ltmp10:
0x16b: {  	_ = 	snop;
	(pc) =	sbr.rel .LBB2_8-.Ltmp10, $1  }
0x16c: {  	_ =	sdelay $0x3  }
.LBB2_12:
0x16d: {  	_ =	sfence.sel $0x180000  }
0x16e: {  	[bflag:$0x0] =	sbarrier.arrive $0xFFFF  }
0x16f: {  	_ =	strace $0x90000047  }
0x170: {  	s0 =	stileid.u32;
	[bflag:$0x2] =	sbarrier.arrive $0xFFFF  }
0x171: {  	p0 =	sne.s32 s0, $0x0;
	s0 =	rddreg [dreg:$0x1]  }
0x172: {  	s0 =	sadd.s32 @!p0 $0x100000, s0  }
0x173: {  	[sflag:s0] =	ssyncadd.tile.s32 @!p0 $0x1;
	_ =	shalt  }
.Lfunc_end2:
_tile_overlayer_lowered:
.L_overlay_start_2:
0x174: {  	(tag) =	ssettag $0x2  }
0x175: {  	s0 =	rddreg [dreg:$0x0];
	s2 =	stileid.u32  }
0x176: {  	s1 =	rddreg [dreg:$0x1];
	p0 =	sne.s32 s2, $0x0  }
0x177: {  	s3 =	rddreg [dreg:$0x2];
	[bflag:$0x3] =	sbarrier.arrive $0xFFFF;
	s2 =	simm.s32 @!p0 $0x1C09  }
0x178: {  	[timem:s3], [sflag:s2] =	dma.local @!p0 [hbm:s0], s1  }
0x179: {  	s0 =	simm.s32 @!p0 $0x9  }
0x17a: {  	_ =	swait.ge @!p0 [sflag:s0], s1  }
0x17b: {  	s1 =	ssub.s32 @!p0 $0x0, s1;
	[sflag:s0] =	ssyncset.done @!p0 $0x0  }
0x17c: {  	[sflag:s0] =	ssyncadd.s32 @!p0 s1  }
0x17d: {  	[bflag:$0x3] =	sbarrier.arrive $0xFFFF  }
0x17e: {  	_ =	shalt  }

// kernel: sparse-core-data-format-call.cloned.1.call-start
scs
called_computation_lowered:
.L_overlay_start_0:
0x0: {  	s2 =	sld [smem:$0x3FD9]  }
0x1: {  	s3 =	sld [smem:$0x3FFE];
	_ =	sdelay $0x1  }
0x2: {  	s1 =	srdreg.scid  }
0x3: {  	s0 =	sand.u32 $0x1, s1  }
0x4: {  	s18 =	sshll.u32 s0, $0xA;
	s2 =	sadd.s32 s3, s2  }
0x5: {  	s2 =	sadd.s32 s2, s18  }
0x6: {  	[smem:$0x3FC5] =	sst s2  }
0x7: {  	_ = 	snop  }
0x8: {  	s2 =	sld [smem:$0x3FD0];
	(tm) =	ssettm $0x1  }
0x9: {  	s19 =	sld [smem:$0x3FFB];
	_ =	sdelay $0x3  }
0xa: {  	_ =	strace s19  }
0xb: {  	s3 =	sld [smem:$0x3FFC];
	_ =	sdelay $0x3  }
0xc: {  	_ =	strace s3  }
0xd: {  	s3 =	sld [smem:$0x3FFD];
	_ =	sdelay $0x3  }
0xe: {  	_ =	strace s3  }
0xf: {  	_ =	strace $0x8FFFFFFF  }
0x10: {  	s20 =	sld [smem:$0x3FDB];
	_ =	sdelay $0x1  }
0x11: {  	s4 =	simm.s32 $_scs_section_size  }
0x12: {  	s5 =	simm.s32 $_size__tile_overlayer_lowered;
	s6 =	simm.s32 $_tile_overlayer_lowered  }
0x13: {  	s23 =	simm.s32 $0x1BFF;
	s22 =	sshll.u32 s6, $0x1;
	s3 =	sadd.s32 s4, s20  }
0x14: {  	s7 =	simm.s32 $0x0;
	s21 =	sshll.u32 s5, $0x1;
	s5 =	sadd.s32 s22, s3  }
0x15: {  	[timem:s7], [sflag:s23] =	dma.local [hbm:s5], s21  }
0x16: {  	_ =	swait.ge [sflag:s23], s21  }
0x17: {  	s4 =	ssub.s32 $0x0, s21;
	[sflag:s23] =	ssyncset.done $0x0  }
0x18: {  	[sflag:s23] =	ssyncadd.s32 s4;
	_ =	sdelay $0x1  }
0x19: {  	s24 =	simm.s32 $0x1B8B  }
0x1a: {  	_ =	swait.ge [sflag:s24], $0x1  }
0x1b: {  	[sflag:s24] =	ssyncset.done $0x0  }
0x1c: {  	s26 =	simm.s32 $0x1B8E;
	s25 =	sld [smem:$0x3FFE];
	[sflag:s24] =	ssyncadd.s32 $0xFFFFFFFF  }
0x1d: {  	s27 =	simm.s32 $execute0_lowered;
	[smem:$0x3FD2] =	sst s26  }
0x1e: {  	s5 =	sshll.u32 s27, $0x1;
	_ =	strace $0x80000049;
	[dreg:$0x1] =	wrdreg $0xFFFFFFFF  }
0x1f: {  	s28 =	simm.s32 $_size_execute0_lowered;
	s3 =	sadd.s32 s3, s5;
	[dreg:$0x0] =	wrdreg $0x0  }
0x20: {  	s5 =	sshll.u32 s28, $0x1;
	[dreg:$0x2] =	wrdreg s3  }
0x21: {  	[dreg:$0x3] =	wrdreg s5  }
0x22: {  	[dreg:$0x4] =	wrdreg $0xC0  }
0x23: {  	_ =	task [dreg:s7], $0x5FFFF  }
0x24: {  	[dreg:$0x1] =	wrdreg $0xFFFFFFFF  }
0x25: {  	[dreg:$0x0] =	wrdreg $0x60  }
0x26: {  	[dreg:$0x2] =	wrdreg s25  }
0x27: {  	[dreg:$0x3] =	wrdreg s2  }
0x28: {  	[dreg:$0x4] =	wrdreg $0x9  }
0x29: {  	_ =	task.clear_ibuf [dreg:s7], $0x5FFFF;
	_ =	strace $0x90000049  }
0x2a: {  	s29 =	simm.s32 $0x9;
	_ =	strace $0x8000004B  }
0x2b: {  	_ =	swait.ge [sflag:s29], $0x1  }
0x2c: {  	[sflag:s29] =	ssyncadd.s32 $0xFFFFFFFF  }
0x2d: {  	_ =	strace $0x9000004B  }
0x2e: {  	_ =	sfence  }
0x2f: {  	s30 =	sld [smem:$0x0];
	_ =	sdelay $0x2  }
0x30: {  	s31 =	sshll.u32 s1, $0xD;
	s1 =	sshrl.u32 s1, $0x2  }
0x31: {  	s3 =	sand.u32 $0x4000, s31;
	s1 =	sadd.s32 s1, s30  }
0x32: {  	s0 =	sor.u32 s3, s0;
	s1 =	sshll.u32 s1, $0x11  }
0x33: {  	s0 =	sor.u32 s1, s0  }
0x34: {  	s0 =	sadd.s32 $0x8F2B, s0  }
0x35: {  	[sflag:s0] =	ssyncadd.remote.s32 $0x1  }
0x36: {  	_ =	sfence.sel $0xFFFF  }
0x37: {  	[dreg:$0x0] =	wrdreg $0xFFFFFFFF;
	(pc) =	sbr.abs _section_cstart, $3  }
0x38: {  	[dreg:$0x1] =	wrdreg $0xFFFFFFFF  }
0x39: {  	_ =	task.clear_ibuf [dreg:s7], $0x2FFFF;
	_ =	strace $0x9FFFFFFF  }
0x3a: {  	(tm) =	ssettm $0x7FFFFFFF  }
0x3b: {  	_ =	shalt  }
tec
execute0_lowered:
.L_overlay_start_1:
0x0: {  	(tag) =	ssettag $0x1  }
0x1: {  	s0 =	srdreg.scid  }
0x2: {  	s1 =	sshll.u32 s0, $0x4  }
0x3: {  	s0 =	stileid.u32;
	s1 =	sand.u32 $0x10, s1  }
0x4: {  	s1 =	sor.u32 s0, s1  }
0x5: {  	s6 =	rddreg [dreg:$0x0];
	s4 =	simm.s32 $0x1;
	s2 =	sshll.u32 s1, $0x7  }
0x6: {  	s7 =	simm.s32 $0x2;
	s12 =	simm.s32 $0x0;
	s1 =	ssub.s32 $0x1000, s2  }
0x7: {  	s8 =	simm.s32 $0x8000;
	s13 =	simm.s32 $0x0;
	s3 =	sand.u32 $0xF80, s1  }
0x8: {  	s9 =	simm.s32 $0x0;
	s5 =	sshrl.u32 s1, $0xC;
	p0 =	sne.s32 s3, $0x0  }
.Ltmp0:
0x9: {  	s1 =	rddreg [dreg:$0x2];
	s4 =	simm.s32 @!p0 $0x0;
	(pc) =	sbr.rel .LBB1_1-.Ltmp0, $4  }
0xa: {  	s11 =	simm.s32 $0x0;
	s3 =	rddreg [dreg:$0x1];
	s5 =	sadd.s32 s4, s5  }
0xb: {  	_ =	strace $0x8000004A;
	s4 =	simm.s32 $0x1;
	s5 =	smul.u32 $0xC8, s5  }
0xc: {  	s6 =	sadd.s32 $0x1A1000, s6;
	s10 =	smov.u32 s2;
	[sflag:s4] =	ssyncpa.u1 $0x0  }
0xd: {  	p0 =	por $0x0, $0x0;
	[sflag:s7] =	ssyncpa.u1 $0x0;
	s7 =	sor.u32 $0x1, s5  }
.LBB1_4:
0xe: {  	s16 =	sshll.u32 s13, $0x3;
	s17 =	sand.u32 $0x78, s13  }
0xf: {  	s30 =	sand.u32 $0x7E00, s13;
	s12 =	sshll.u32 s12, $0xF;
	s16 =	sand.u32 $0xC00, s16  }
0x10: {  	[tilespmem:s15+$0x810 ss:$0x81] =	vst.msk $0xffff, v2;
	s31 =	sand.u32 $0x7, s13;
	s16 =	sor.u32 s17, s16;
	s17 =	sadd.s32 s3, s30  }
0x11: {  	[tilespmem:s15+$0x1020 ss:$0x81] =	vst.msk $0xffff, v0;
	s13 =	sshll.u32 s31, $0x12;
	s12 =	sadd.s32 s12, s17;
	s16 =	sshrl.u32 s16, $0x3  }
0x12: {  	[tilespmem:s15+$0x0 ss:$0x81] =	vst.msk $0xffff, v1;
	s13 =	sor.u32 $0x400, s13;
	s12 =	sadd.s32 s16, s12  }
0x13: {  	[hbm4b:s12+s13] =	stream.strided.scatter [tilespmem:s14], [sflag:$0x2], $0x2000, s8, s13, $0x20;
	[tilespmem:$0x8080] =	vst v63  }
.LBB1_5:
0x14: {  	s14 =	sadd.s32 $0x1, s9  }
0x15: {  	s12 =	sadd.s32 $0x1000, s10;
	s16 =	smov.u32 s10;
	p2 =	sgt.s32 s14, $0xC7  }
0x16: {  	s16 =	smov.u32 @p2 s12  }
0x17: {  	s14 =	simm.s32 @p2 $0x0;
	p2 =	sgt.s32 s16, $0xFFF  }
0x18: {  	s16 =	smov.u32 @p2 s2;
	p2 =	sne.s32 s11, s7  }
.Ltmp1:
0x19: {  	p1 =	slt.u32 s11, $0x2;
	(pc) =	sbr.rel @!p2 .LBB1_6-.Ltmp1, $4  }
0x1a: {  	s15 =	simm.s32 @!p1 $0x2  }
0x1b: {  	s13 =	smov.u32 s10;
	p0 =	por !p0, !p0;
	_ =	swait.ge @!p1 [sflag:s15], $0x2000  }
0x1c: {  	s12 =	smov.u32 s9;
	[sflag:s15] =	ssyncset.done @!p1 $0x0;
	s9 =	smov.u32 s14  }
0x1d: {  	s11 =	sadd.s32 $0x1, s11;
	[sflag:s15] =	ssyncadd.s32 @!p1 $0xFFFFE000;
	s10 =	smov.u32 s16  }
.LBB1_1:
0x1e: {  	p1 =	sge.u32 s11, s5  }
0x1f: {  	s14 =	sand.u32 @!p1 $0x1FFFFFF, s9  }
0x20: {  	s15 =	smulhi.u32 @!p1 $0x147AE15, s14;
	_ =	sdelay $0x1  }
0x21: {  	s15 =	smul.u32 @!p1 $0xC8, s15  }
0x22: {  	s16 =	sxor.u32 @!p1 $0xFFFFFFFF, s11;
	s17 =	smul.u32 @!p1 $0xC80, s10  }
0x23: {  	s31 =	sadd.s32 $0xFFFFFFFF, s11;
	s16 =	sshll.u32 @!p1 s16, $0xD;
	s14 =	ssub.s32 @!p1 s14, s15  }
0x24: {  	s15 =	sand.u32 @!p1 $0x2000, s16;
	s16 =	sadd.s32 @!p1 s6, s17;
	s14 =	sshll.u32 @!p1 s14, $0x4  }
0x25: {  	s17 =	simm.s32 @!p1 $0x6400;
	s14 =	sadd.s32 @!p1 s14, s16;
	s16 =	simm.s32 @!p1 $0x40  }
0x26: {  	[tilespmem:s15], [sflag:$0x1] =	stream.strided.gather @!p1 [hbm4b:s14+s16], $0x2000, s17, s16, $0x38;
	[tilespmem:$0x8080] =	vst v63  }
0x27: {  	p1 =	sge.u32 s31, s5  }
.Ltmp2:
0x28: {  	_ = 	snop;
	(pc) =	sbr.rel @p1 .LBB1_5-.Ltmp2, $1  }
0x29: {  	_ =	sdelay $0x3  }
0x2a: {  	s14 =	simm.s32 $0x1  }
0x2b: {  	_ =	swait.ge [sflag:s4], $0x2000;
	s14 =	simm.s32 @!p0 $0x0  }
0x2c: {  	[sflag:s4] =	ssyncset.done $0x0;
	s15 =	sshll.u32 s14, $0xD  }
0x2d: {  	[sflag:s4] =	ssyncadd.s32 $0xFFFFE000;
	s18 =	sor.u32 $0x20, s15  }
0x2e: {  	s14 =	smul.u32 $0x8100, s14;
	v3 =	vld [tilespmem:s18+$0x10]  }
0x2f: {  	s30 =	sand.u32 $0x1, s11;
	v2 =	vld [tilespmem:s18+$0xFFFFFFF0]  }
0x30: {  	s15 =	smul.u32 $0x8100, s30;
	s14 =	sshrl.u32 s14, $0x2;
	v0 =	vld [tilespmem:s18+$0x0]  }
0x31: {  	v1 =	vld [tilespmem:s18+$0xFFFFFFE0];
	s16 =	sor.u32 $0x4000, s14  }
0x32: {  	s31 =	sshrl.u32 s15, $0x2;
	s15 =	sadd.s32 $0x0, s16  }
0x33: {  	s17 =	simm.s32 $0x4;
	s18 =	sadd.s32 $0x40, s18;
	s14 =	sor.u32 $0x4000, s31;
	[tilespmem:s15+$0x1830 ss:$0x81] =	vst.msk $0xffff, v3  }
.LBB1_3:
0x34: {  	v3 =	vld [tilespmem:s18+$0x10];
	p1 =	sne.s32 s17, $0x1FC;
	[tilespmem:s15+$0x810 ss:$0x81] =	vst.msk $0xffff, v2;
	s19 =	smov.u32 s17;
	s17 =	sadd.s32 $0x4, s17  }
.Ltmp3:
0x35: {  	v2 =	vld [tilespmem:s18+$0xFFFFFFF0];
	[tilespmem:s15+$0x1020 ss:$0x81] =	vst.msk $0xffff, v0;
	(pc) =	sbr.rel @p1 .LBB1_3-.Ltmp3, $4  }
0x36: {  	v0 =	vld [tilespmem:s18+$0x0];
	[tilespmem:s15+$0x0 ss:$0x81] =	vst.msk $0xffff, v1  }
0x37: {  	s15 =	sshra.s32 s19, $0x2;
	v1 =	vld [tilespmem:s18+$0xFFFFFFE0]  }
0x38: {  	s15 =	sadd.s32 s15, s16  }
0x39: {  	s18 =	sadd.s32 $0x40, s18;
	[tilespmem:s15+$0x1830 ss:$0x81] =	vst.msk $0xffff, v3  }
.Ltmp4:
0x3a: {  	_ = 	snop;
	(pc) =	sbr.rel .LBB1_4-.Ltmp4, $1  }
0x3b: {  	_ =	sdelay $0x3  }
.LBB1_6:
0x3c: {  	_ =	sfence.sel $0x180000  }
0x3d: {  	s2 =	simm.s32 $0x1;
	[bflag:$0x0] =	sbarrier.arrive $0xFFFF  }
0x3e: {  	s31 =	simm.s32 $0x2;
	[sflag:s2] =	ssyncpa.u1 $0x1  }
0x3f: {  	[sflag:s31] =	ssyncpa.u1 $0x1  }
0x40: {  	p0 =	sne.s32 s0, $0x0;
	_ =	strace $0x9000004A  }
0x41: {  	s0 =	sadd.s32 @!p0 $0x100000, s1;
	[bflag:$0x2] =	sbarrier.arrive $0xFFFF  }
0x42: {  	[sflag:s0] =	ssyncadd.tile.s32 @!p0 $0x1;
	_ =	shalt  }
.Lfunc_end1:
_tile_overlayer_lowered:
.L_overlay_start_2:
0x43: {  	(tag) =	ssettag $0x2  }
0x44: {  	s0 =	rddreg [dreg:$0x0];
	s2 =	stileid.u32  }
0x45: {  	s1 =	rddreg [dreg:$0x1];
	p0 =	sne.s32 s2, $0x0  }
0x46: {  	s3 =	rddreg [dreg:$0x2];
	[bflag:$0x3] =	sbarrier.arrive $0xFFFF;
	s2 =	simm.s32 @!p0 $0x1C01  }
0x47: {  	[timem:s3], [sflag:s2] =	dma.local @!p0 [hbm:s0], s1  }
0x48: {  	s0 =	simm.s32 @!p0 $0x1  }
0x49: {  	_ =	swait.ge @!p0 [sflag:s0], s1  }
0x4a: {  	s1 =	ssub.s32 @!p0 $0x0, s1;
	[sflag:s0] =	ssyncset.done @!p0 $0x0  }
0x4b: {  	[sflag:s0] =	ssyncadd.s32 @!p0 s1  }
0x4c: {  	[bflag:$0x3] =	sbarrier.arrive $0xFFFF  }
0x4d: {  	_ =	shalt  }

</sc_bundles>
